<compile_context>
chip_gen: v7x
topology: tpu7x:2x2x1
jax: 0.10.2.dev20260603
libtpu: 0.0.44.dev20260713+nightly
codegen_flags: <defaults>
</compile_context>

<pallas_src>
import functools

import jax
import jax.numpy as jnp
from jax import lax
from jax.experimental import pallas as pl
from jax.experimental.pallas import tpu as pltpu
from jax.experimental.pallas import tpu_sc as plsc

N_NODES = 10000
D_FEAT = 128
N_EDGES = 320000

NC = 2
NS = 16
NW = NC * NS
CHUNK = 128
NCHUNK = 79
EPW = NCHUNK * CHUNK
E_PAD = NW * EPW
RPT = N_NODES // NS


def _sc_sums(feature, src_flat, dst_flat):
    mesh = plsc.VectorSubcoreMesh(core_axis_name="c", subcore_axis_name="s")

    @functools.partial(
        pl.kernel,
        out_type=jax.ShapeDtypeStruct((NC, NS, RPT, D_FEAT), jnp.float32),
        mesh=mesh,
        scratch_types=(
            pltpu.VMEM_SHARED((N_NODES + 8, D_FEAT), jnp.float32),
            pltpu.VMEM((CHUNK,), jnp.int32),
            pltpu.VMEM((CHUNK,), jnp.int32),
            pltpu.VMEM((CHUNK, D_FEAT), jnp.float32),
            pltpu.SemaphoreType.DMA,
        ),
    )
    def sc_fn(feature_hbm, src_hbm, dst_hbm, sum_out,
              acc_sh, src_c, dst_c, rows_v, sem):
        c = lax.axis_index("c")
        s = lax.axis_index("s")

        zvec = jnp.zeros((16,), jnp.float32)

        def zrbody(i, _):
            rows_v[i // 8, pl.ds((i % 8) * 16, 16)] = zvec
            return 0
        lax.fori_loop(0, CHUNK * 8, zrbody, 0)

        for j in range(4):
            pltpu.sync_copy(rows_v, acc_sh.at[pl.ds(s * RPT + j * CHUNK, CHUNK)])
        pltpu.sync_copy(rows_v.at[pl.ds(0, RPT - 4 * CHUNK)],
                        acc_sh.at[pl.ds(s * RPT + 4 * CHUNK, RPT - 4 * CHUNK)])
        plsc.subcore_barrier()

        ebase = (c * NS + s) * EPW

        def body(t, _):
            pltpu.sync_copy(src_hbm.at[pl.ds(ebase + t * CHUNK, CHUNK)], src_c)
            cp = pltpu.async_copy(feature_hbm.at[src_c], rows_v, sem)
            pltpu.sync_copy(dst_hbm.at[pl.ds(ebase + t * CHUNK, CHUNK)], dst_c)
            cp.wait()
            pltpu.sync_copy(rows_v, acc_sh.at[dst_c], add=True)
            return 0

        lax.fori_loop(0, NCHUNK, body, 0)
        plsc.subcore_barrier()
        pltpu.sync_copy(acc_sh.at[pl.ds(s * RPT, RPT)], sum_out.at[c, s])

    return sc_fn(feature, src_flat, dst_flat)


def _sc_counts(dst3):
    mesh = plsc.VectorSubcoreMesh(core_axis_name="c", subcore_axis_name="s")

    @functools.partial(
        pl.kernel,
        out_type=jax.ShapeDtypeStruct((NC, NS, RPT, D_FEAT), jnp.float32),
        mesh=mesh,
        scratch_types=(
            pltpu.VMEM_SHARED((N_NODES + 8, D_FEAT), jnp.float32),
            pltpu.VMEM((CHUNK, D_FEAT), jnp.float32),
            pltpu.VMEM((NCHUNK, CHUNK), jnp.int32),
        ),
    )
    def sc_fn(dst_hbm, cnt_out, cnt_sh, ones_v, dst_all):
        c = lax.axis_index("c")
        s = lax.axis_index("s")
        wid = c * NS + s

        zvec = jnp.zeros((16,), jnp.float32)
        ovec = jnp.ones((16,), jnp.float32)

        def zbody(i, _):
            ones_v[i // 8, pl.ds((i % 8) * 16, 16)] = zvec
            return 0
        lax.fori_loop(0, CHUNK * 8, zbody, 0)

        for j in range(4):
            pltpu.sync_copy(ones_v,
                            cnt_sh.at[pl.ds(s * RPT + j * CHUNK, CHUNK)])
        pltpu.sync_copy(ones_v.at[pl.ds(0, RPT - 4 * CHUNK)],
                        cnt_sh.at[pl.ds(s * RPT + 4 * CHUNK, RPT - 4 * CHUNK)])

        def obody(i, _):
            ones_v[i // 8, pl.ds((i % 8) * 16, 16)] = ovec
            return 0
        lax.fori_loop(0, CHUNK * 8, obody, 0)

        pltpu.sync_copy(dst_hbm.at[wid], dst_all)
        plsc.subcore_barrier()

        def cbody(t, _):
            pltpu.sync_copy(ones_v, cnt_sh.at[dst_all.at[t]], add=True)
            return 0

        lax.fori_loop(0, NCHUNK, cbody, 0)
        plsc.subcore_barrier()
        pltpu.sync_copy(cnt_sh.at[pl.ds(s * RPT, RPT)], cnt_out.at[c, s])

    return sc_fn(dst3)


def _tc_body(s0_ref, s1_ref, c0_ref, c1_ref, f_ref, wh_ref, wf_ref, b_ref, o_ref):
    cnt = c0_ref[...][:, 0] + c1_ref[...][:, 0]
    h = (s0_ref[...] + s1_ref[...]) / jnp.maximum(cnt, 1.0)[:, None]
    y = (jnp.dot(h, wh_ref[...], preferred_element_type=jnp.float32)
         + jnp.dot(f_ref[...], wf_ref[...], preferred_element_type=jnp.float32)
         + b_ref[...])
    o_ref[...] = jnp.maximum(y, 0.0)


def _tc_dense(s0, s1, c0, c1, feature, wh, wf, b):
    blk = 1000
    grid = N_NODES // blk
    return pl.pallas_call(
        _tc_body,
        out_shape=jax.ShapeDtypeStruct((N_NODES, D_FEAT), jnp.float32),
        grid=(grid,),
        in_specs=[
            pl.BlockSpec((blk, D_FEAT), lambda i: (i, 0)),
            pl.BlockSpec((blk, D_FEAT), lambda i: (i, 0)),
            pl.BlockSpec((blk, D_FEAT), lambda i: (i, 0)),
            pl.BlockSpec((blk, D_FEAT), lambda i: (i, 0)),
            pl.BlockSpec((blk, D_FEAT), lambda i: (i, 0)),
            pl.BlockSpec((D_FEAT, D_FEAT), lambda i: (0, 0)),
            pl.BlockSpec((D_FEAT, D_FEAT), lambda i: (0, 0)),
            pl.BlockSpec((1, D_FEAT), lambda i: (0, 0)),
        ],
        out_specs=pl.BlockSpec((blk, D_FEAT), lambda i: (i, 0)),
    )(s0, s1, c0, c1, feature, wh, wf, b)


def kernel(feature, edge_index, W, b):
    ei = edge_index.astype(jnp.int32)
    npad = E_PAD - N_EDGES
    src_flat = jnp.concatenate([ei[0], jnp.zeros((npad,), jnp.int32)])
    dst_flat = jnp.concatenate([ei[1], jnp.full((npad,), N_NODES, jnp.int32)])
    dst3 = dst_flat.reshape(NW, NCHUNK, CHUNK)

    sums = _sc_sums(feature, src_flat, dst_flat)
    cnts = _sc_counts(dst3)
    sums = sums.reshape(NC, N_NODES, D_FEAT)
    cnts = cnts.reshape(NC, N_NODES, D_FEAT)

    wh = W[:, :D_FEAT].T
    wf = W[:, D_FEAT:].T
    return _tc_dense(sums[0], sums[1], cnts[0], cnts[1], feature, wh, wf,
                     b.reshape(1, D_FEAT))

# --- scband reference (transcript-rebuilt; emitter-appended) ---
"""Pipeline reference for scband-gcnlayer-33681133535393 (READ-ONLY COPY).

The authoritative reference and input builder live on the scoring server;
editing this copy changes nothing except your own understanding.
"""

import jax, jax.numpy as jnp
import numpy as np

N_NODES = 10000
N_EDGES = 320000
D_FEAT = 128
IN_FEATS = 256  # 2 * D_FEAT after concat
OUT_FEATS = 128


def setup_inputs(seed: int = 0) -> dict:
    key = jax.random.key(seed)
    k1, k2, k3, k4 = jax.random.split(key, 4)
    feature = jax.random.normal(k1, (N_NODES, D_FEAT), dtype=jnp.float32)
    edge_index = jax.random.randint(k2, (2, N_EDGES), 0, N_NODES, dtype=jnp.int64)
    # Linear(in_feats=256, out_feats=128) params (torch convention: W[out, in])
    W = jax.random.normal(k3, (OUT_FEATS, IN_FEATS), dtype=jnp.float32) * (1.0 / np.sqrt(IN_FEATS))
    b = jax.random.normal(k4, (OUT_FEATS,), dtype=jnp.float32) * 0.01
    return {"feature": feature, "edge_index": edge_index, "W": W, "b": b}


def reference(feature, edge_index, W, b):
    # DGL: g.update_all(copy_src('h','m'), mean('m','h'))
    # message = feature[src]; reduce = mean over incoming edges at dst
    src = edge_index[0]
    dst = edge_index[1]
    n = feature.shape[0]
    msgs = jnp.take(feature, src, axis=0)                      # gather  [E, d]
    summed = jax.ops.segment_sum(msgs, dst, num_segments=n)    # scatter-add [N, d]
    counts = jax.ops.segment_sum(jnp.ones((msgs.shape[0],), dtype=feature.dtype), dst, num_segments=n)
    h_in = summed / jnp.maximum(counts, 1.0)[:, None]          # mean; 0 for isolated nodes
    # g_rev is None path: x = relu(Linear(cat([h_in, feature])))
    x = jnp.concatenate([h_in, feature], axis=1)               # [N, 2d]
    x = jax.nn.relu(x @ W.T + b)
    # dropout is None -> identity; forward returns (x, g_rev=None) -> return x
    return x

if __name__ == "__main__":
    import jax
    _d = setup_inputs()
    print(jax.jit(kernel)(*tuple(_d.values())))

</pallas_src>

<mosaic_0001>
#map = affine_map<(d0, d1) -> (0, 0, 0)>
#map1 = affine_map<(d0, d1) -> (0, 0, 0, 0)>
module attributes {stable_mosaic.version = 14 : i64} {
  func.func @sc_fn(%arg0: i32, %arg1: i32, %arg2: memref<32x79x128xi32, #tpu.memory_space<hbm>>, %arg3: memref<2x16x625x128xf32, #tpu.memory_space<hbm>>, %arg4: memref<10008x128xf32, #tpu.memory_space<vmem_shared>>, %arg5: memref<128x128xf32, #tpu.memory_space<vmem>>, %arg6: memref<79x128xi32, #tpu.memory_space<vmem>>) attributes {dimension_semantics = [#tpu.dimension_semantics<core_parallel>, #tpu.dimension_semantics<subcore_parallel>], iteration_bounds = array<i64: 2, 16>, scalar_prefetch = 0 : i64, scratch_operands = 3 : i64, tpu.core_type = #tpu.core_type<sc_vector_subcore>, window_params = [{transform_indices = #map}, {transform_indices = #map1}]} {
    %mul3A = arith.constant 16 : i32
    %mul3A_0 = arith.muli %arg0, %mul3A : i32
    %add3A = arith.addi %mul3A_0, %arg1 : i32
    %broadcast_in_dim3A = arith.constant 0.000000e+00 : f32
    %broadcast_in_dim3A_1 = vector.broadcast %broadcast_in_dim3A : f32 to vector<16xf32>
    %broadcast_in_dim3A_2 = arith.constant 1.000000e+00 : f32
    %broadcast_in_dim3A_3 = vector.broadcast %broadcast_in_dim3A_2 : f32 to vector<16xf32>
    %scan3A = arith.constant 0 : i32
    %scan3A_4 = arith.constant 0 : i32
    %scan3A_5 = arith.constant 1024 : i32
    %scan3A_6 = arith.addi %scan3A_4, %scan3A_5 : i32
    %scan3A_7 = arith.constant 1 : i32
    %scan3A_8 = scf.for %scan3A_47 = %scan3A_4 to %scan3A_6 step %scan3A_7 iter_args(%scan3A_48 = %scan3A) -> (i32)  : i32 {
      %jit3A = arith.constant 8 : i32
      %div3A = arith.divsi %scan3A_47, %jit3A : i32
      %sign3A = arith.constant 0 : i32
      %sign3A_49 = arith.cmpi sgt, %scan3A_47, %sign3A : i32
      %sign3A_50 = arith.extui %sign3A_49 : i1 to i32
      %sign3A_51 = arith.constant 0 : i32
      %sign3A_52 = arith.cmpi slt, %scan3A_47, %sign3A_51 : i32
      %sign3A_53 = arith.extui %sign3A_52 : i1 to i32
      %sign3A_54 = arith.subi %sign3A_50, %sign3A_53 : i32
      %sign3A_55 = arith.constant 0 : i32
      %sign3A_56 = arith.cmpi sgt, %jit3A, %sign3A_55 : i32
      %sign3A_57 = arith.extui %sign3A_56 : i1 to i32
      %sign3A_58 = arith.constant 0 : i32
      %sign3A_59 = arith.cmpi slt, %jit3A, %sign3A_58 : i32
      %sign3A_60 = arith.extui %sign3A_59 : i1 to i32
      %sign3A_61 = arith.subi %sign3A_57, %sign3A_60 : i32
      %ne3A = arith.cmpi ne, %sign3A_54, %sign3A_61 : i32
      %rem3A = arith.remsi %scan3A_47, %jit3A : i32
      %ne3A_62 = arith.constant 0 : i32
      %ne3A_63 = arith.cmpi ne, %rem3A, %ne3A_62 : i32
      %and3A = arith.andi %ne3A, %ne3A_63 : i1
      %sub3A = arith.constant 1 : i32
      %sub3A_64 = arith.subi %div3A, %sub3A : i32
      %select_n3A = arith.select %and3A, %sub3A_64, %div3A : i32
      %jit3A_65 = arith.constant 8 : i32
      %eq3A = arith.constant 0 : i32
      %eq3A_66 = arith.cmpi eq, %jit3A_65, %eq3A : i32
      %jit3A_67 = arith.constant 1 : i32
      %select_n3A_68 = arith.select %eq3A_66, %jit3A_67, %jit3A_65 : i32
      %rem3A_69 = arith.remsi %scan3A_47, %select_n3A_68 : i32
      %ne3A_70 = arith.constant 0 : i32
      %ne3A_71 = arith.cmpi ne, %rem3A_69, %ne3A_70 : i32
      %lt3A = arith.constant 0 : i32
      %lt3A_72 = arith.cmpi slt, %rem3A_69, %lt3A : i32
      %lt3A_73 = arith.constant 0 : i32
      %lt3A_74 = arith.cmpi slt, %select_n3A_68, %lt3A_73 : i32
      %ne3A_75 = arith.xori %lt3A_72, %lt3A_74 : i1
      %and3A_76 = arith.andi %ne3A_75, %ne3A_71 : i1
      %add3A_77 = arith.addi %rem3A_69, %select_n3A_68 : i32
      %select_n3A_78 = arith.select %and3A_76, %add3A_77, %rem3A_69 : i32
      %mul3A_79 = arith.constant 16 : i32
      %mul3A_80 = arith.muli %select_n3A_78, %mul3A_79 : i32
      %swap3A = arith.index_cast %select_n3A : i32 to index
      %swap3A_81 = arith.index_cast %mul3A_80 : i32 to index
      %swap3A_82 = tpu.vector_load %arg5[%swap3A, %swap3A_81] {strides = array<i32>} : memref<128x128xf32, #tpu.memory_space<vmem>>, vector<1x16xf32>,
      %swap3A_83 = vector.shape_cast %swap3A_82 : vector<1x16xf32> to vector<16xf32>
      %swap3A_84 = vector.shape_cast %broadcast_in_dim3A_1 : vector<16xf32> to vector<1x16xf32>
      tpu.vector_store %arg5[%swap3A, %swap3A_81], %swap3A_84 {strides = array<i32>} : memref<128x128xf32, #tpu.memory_space<vmem>>, vector<1x16xf32>,
      %scan3A_85 = arith.constant 0 : i32
      scf.yield %scan3A_85 : i32
    }
    %scan3A_9 = arith.constant 1024 : i32
    %mul3A_10 = arith.constant 625 : i32
    %mul3A_11 = arith.muli %arg1, %mul3A_10 : i32
    %add3A_12 = arith.constant 0 : i32
    %add3A_13 = arith.addi %mul3A_11, %add3A_12 : i32
    "tpu.region"() ({
      %run_scoped3A = tpu.sem_alloc : memref<!tpu.dma_semaphore, #tpu.memory_space<semaphore_mem>>
      %dma_start3A = arith.constant 0 : i32
      %dma_start3A_47 = tpu.memref_slice %arg4[%add3A_13, %dma_start3A] : memref<10008x128xf32, #tpu.memory_space<vmem_shared>> -> memref<128x128xf32, #tpu.memory_space<vmem_shared>>
      %dma_start3A_48 = arith.constant 0 : i32
      %dma_start3A_49 = tpu.memref_slice %arg4[%add3A_13, %dma_start3A_48] : memref<10008x128xf32, #tpu.memory_space<vmem_shared>> -> memref<128x128xf32, #tpu.memory_space<vmem_shared>>
      tpu.enqueue_dma source(%arg5 : memref<128x128xf32, #tpu.memory_space<vmem>>) target(%dma_start3A_49 : memref<128x128xf32, #tpu.memory_space<vmem_shared>>) target_semaphore(%run_scoped3A : memref<!tpu.dma_semaphore, #tpu.memory_space<semaphore_mem>>)
      %dma_wait3A = arith.constant 0 : i32
      %dma_wait3A_50 = tpu.memref_slice %arg4[%add3A_13, %dma_wait3A] : memref<10008x128xf32, #tpu.memory_space<vmem_shared>> -> memref<128x128xf32, #tpu.memory_space<vmem_shared>>
      %dma_wait3A_51 = arith.constant 0 : i32
      %dma_wait3A_52 = tpu.memref_slice %arg4[%add3A_13, %dma_wait3A_51] : memref<10008x128xf32, #tpu.memory_space<vmem_shared>> -> memref<128x128xf32, #tpu.memory_space<vmem_shared>>
      tpu.wait_dma2 semaphore(%run_scoped3A : memref<!tpu.dma_semaphore, #tpu.memory_space<semaphore_mem>>) src(%arg5 : memref<128x128xf32, #tpu.memory_space<vmem>>) dst(%dma_wait3A_52 : memref<128x128xf32, #tpu.memory_space<vmem_shared>>)
      tpu.yield
    }) : () -> ()
    %mul3A_14 = arith.constant 625 : i32
    %mul3A_15 = arith.muli %arg1, %mul3A_14 : i32
    %add3A_16 = arith.constant 128 : i32
    %add3A_17 = arith.addi %mul3A_15, %add3A_16 : i32
    "tpu.region"() ({
      %run_scoped3A = tpu.sem_alloc : memref<!tpu.dma_semaphore, #tpu.memory_space<semaphore_mem>>
      %dma_start3A = arith.constant 0 : i32
      %dma_start3A_47 = tpu.memref_slice %arg4[%add3A_17, %dma_start3A] : memref<10008x128xf32, #tpu.memory_space<vmem_shared>> -> memref<128x128xf32, #tpu.memory_space<vmem_shared>>
      %dma_start3A_48 = arith.constant 0 : i32
      %dma_start3A_49 = tpu.memref_slice %arg4[%add3A_17, %dma_start3A_48] : memref<10008x128xf32, #tpu.memory_space<vmem_shared>> -> memref<128x128xf32, #tpu.memory_space<vmem_shared>>
      tpu.enqueue_dma source(%arg5 : memref<128x128xf32, #tpu.memory_space<vmem>>) target(%dma_start3A_49 : memref<128x128xf32, #tpu.memory_space<vmem_shared>>) target_semaphore(%run_scoped3A : memref<!tpu.dma_semaphore, #tpu.memory_space<semaphore_mem>>)
      %dma_wait3A = arith.constant 0 : i32
      %dma_wait3A_50 = tpu.memref_slice %arg4[%add3A_17, %dma_wait3A] : memref<10008x128xf32, #tpu.memory_space<vmem_shared>> -> memref<128x128xf32, #tpu.memory_space<vmem_shared>>
      %dma_wait3A_51 = arith.constant 0 : i32
      %dma_wait3A_52 = tpu.memref_slice %arg4[%add3A_17, %dma_wait3A_51] : memref<10008x128xf32, #tpu.memory_space<vmem_shared>> -> memref<128x128xf32, #tpu.memory_space<vmem_shared>>
      tpu.wait_dma2 semaphore(%run_scoped3A : memref<!tpu.dma_semaphore, #tpu.memory_space<semaphore_mem>>) src(%arg5 : memref<128x128xf32, #tpu.memory_space<vmem>>) dst(%dma_wait3A_52 : memref<128x128xf32, #tpu.memory_space<vmem_shared>>)
      tpu.yield
    }) : () -> ()
    %mul3A_18 = arith.constant 625 : i32
    %mul3A_19 = arith.muli %arg1, %mul3A_18 : i32
    %add3A_20 = arith.constant 256 : i32
    %add3A_21 = arith.addi %mul3A_19, %add3A_20 : i32
    "tpu.region"() ({
      %run_scoped3A = tpu.sem_alloc : memref<!tpu.dma_semaphore, #tpu.memory_space<semaphore_mem>>
      %dma_start3A = arith.constant 0 : i32
      %dma_start3A_47 = tpu.memref_slice %arg4[%add3A_21, %dma_start3A] : memref<10008x128xf32, #tpu.memory_space<vmem_shared>> -> memref<128x128xf32, #tpu.memory_space<vmem_shared>>
      %dma_start3A_48 = arith.constant 0 : i32
      %dma_start3A_49 = tpu.memref_slice %arg4[%add3A_21, %dma_start3A_48] : memref<10008x128xf32, #tpu.memory_space<vmem_shared>> -> memref<128x128xf32, #tpu.memory_space<vmem_shared>>
      tpu.enqueue_dma source(%arg5 : memref<128x128xf32, #tpu.memory_space<vmem>>) target(%dma_start3A_49 : memref<128x128xf32, #tpu.memory_space<vmem_shared>>) target_semaphore(%run_scoped3A : memref<!tpu.dma_semaphore, #tpu.memory_space<semaphore_mem>>)
      %dma_wait3A = arith.constant 0 : i32
      %dma_wait3A_50 = tpu.memref_slice %arg4[%add3A_21, %dma_wait3A] : memref<10008x128xf32, #tpu.memory_space<vmem_shared>> -> memref<128x128xf32, #tpu.memory_space<vmem_shared>>
      %dma_wait3A_51 = arith.constant 0 : i32
      %dma_wait3A_52 = tpu.memref_slice %arg4[%add3A_21, %dma_wait3A_51] : memref<10008x128xf32, #tpu.memory_space<vmem_shared>> -> memref<128x128xf32, #tpu.memory_space<vmem_shared>>
      tpu.wait_dma2 semaphore(%run_scoped3A : memref<!tpu.dma_semaphore, #tpu.memory_space<semaphore_mem>>) src(%arg5 : memref<128x128xf32, #tpu.memory_space<vmem>>) dst(%dma_wait3A_52 : memref<128x128xf32, #tpu.memory_space<vmem_shared>>)
      tpu.yield
    }) : () -> ()
    %mul3A_22 = arith.constant 625 : i32
    %mul3A_23 = arith.muli %arg1, %mul3A_22 : i32
    %add3A_24 = arith.constant 384 : i32
    %add3A_25 = arith.addi %mul3A_23, %add3A_24 : i32
    "tpu.region"() ({
      %run_scoped3A = tpu.sem_alloc : memref<!tpu.dma_semaphore, #tpu.memory_space<semaphore_mem>>
      %dma_start3A = arith.constant 0 : i32
      %dma_start3A_47 = tpu.memref_slice %arg4[%add3A_25, %dma_start3A] : memref<10008x128xf32, #tpu.memory_space<vmem_shared>> -> memref<128x128xf32, #tpu.memory_space<vmem_shared>>
      %dma_start3A_48 = arith.constant 0 : i32
      %dma_start3A_49 = tpu.memref_slice %arg4[%add3A_25, %dma_start3A_48] : memref<10008x128xf32, #tpu.memory_space<vmem_shared>> -> memref<128x128xf32, #tpu.memory_space<vmem_shared>>
      tpu.enqueue_dma source(%arg5 : memref<128x128xf32, #tpu.memory_space<vmem>>) target(%dma_start3A_49 : memref<128x128xf32, #tpu.memory_space<vmem_shared>>) target_semaphore(%run_scoped3A : memref<!tpu.dma_semaphore, #tpu.memory_space<semaphore_mem>>)
      %dma_wait3A = arith.constant 0 : i32
      %dma_wait3A_50 = tpu.memref_slice %arg4[%add3A_25, %dma_wait3A] : memref<10008x128xf32, #tpu.memory_space<vmem_shared>> -> memref<128x128xf32, #tpu.memory_space<vmem_shared>>
      %dma_wait3A_51 = arith.constant 0 : i32
      %dma_wait3A_52 = tpu.memref_slice %arg4[%add3A_25, %dma_wait3A_51] : memref<10008x128xf32, #tpu.memory_space<vmem_shared>> -> memref<128x128xf32, #tpu.memory_space<vmem_shared>>
      tpu.wait_dma2 semaphore(%run_scoped3A : memref<!tpu.dma_semaphore, #tpu.memory_space<semaphore_mem>>) src(%arg5 : memref<128x128xf32, #tpu.memory_space<vmem>>) dst(%dma_wait3A_52 : memref<128x128xf32, #tpu.memory_space<vmem_shared>>)
      tpu.yield
    }) : () -> ()
    %mul3A_26 = arith.constant 625 : i32
    %mul3A_27 = arith.muli %arg1, %mul3A_26 : i32
    %add3A_28 = arith.constant 512 : i32
    %add3A_29 = arith.addi %mul3A_27, %add3A_28 : i32
    "tpu.region"() ({
      %run_scoped3A = tpu.sem_alloc : memref<!tpu.dma_semaphore, #tpu.memory_space<semaphore_mem>>
      %dma_start3A = arith.constant 0 : i32
      %dma_start3A_47 = arith.constant 0 : i32
      %dma_start3A_48 = tpu.memref_slice %arg5[%dma_start3A, %dma_start3A_47] : memref<128x128xf32, #tpu.memory_space<vmem>> -> memref<113x128xf32, #tpu.memory_space<vmem>>
      %dma_start3A_49 = arith.constant 0 : i32
      %dma_start3A_50 = tpu.memref_slice %arg4[%add3A_29, %dma_start3A_49] : memref<10008x128xf32, #tpu.memory_space<vmem_shared>> -> memref<113x128xf32, #tpu.memory_space<vmem_shared>>
      %dma_start3A_51 = arith.constant 0 : i32
      %dma_start3A_52 = tpu.memref_slice %arg4[%add3A_29, %dma_start3A_51] : memref<10008x128xf32, #tpu.memory_space<vmem_shared>> -> memref<113x128xf32, #tpu.memory_space<vmem_shared>>
      %dma_start3A_53 = arith.constant 0 : i32
      %dma_start3A_54 = arith.constant 0 : i32
      %dma_start3A_55 = tpu.memref_slice %arg5[%dma_start3A_53, %dma_start3A_54] : memref<128x128xf32, #tpu.memory_space<vmem>> -> memref<113x128xf32, #tpu.memory_space<vmem>>
      tpu.enqueue_dma source(%dma_start3A_55 : memref<113x128xf32, #tpu.memory_space<vmem>>) target(%dma_start3A_52 : memref<113x128xf32, #tpu.memory_space<vmem_shared>>) target_semaphore(%run_scoped3A : memref<!tpu.dma_semaphore, #tpu.memory_space<semaphore_mem>>)
      %dma_wait3A = arith.constant 0 : i32
      %dma_wait3A_56 = arith.constant 0 : i32
      %dma_wait3A_57 = tpu.memref_slice %arg5[%dma_wait3A, %dma_wait3A_56] : memref<128x128xf32, #tpu.memory_space<vmem>> -> memref<113x128xf32, #tpu.memory_space<vmem>>
      %dma_wait3A_58 = arith.constant 0 : i32
      %dma_wait3A_59 = tpu.memref_slice %arg4[%add3A_29, %dma_wait3A_58] : memref<10008x128xf32, #tpu.memory_space<vmem_shared>> -> memref<113x128xf32, #tpu.memory_space<vmem_shared>>
      %dma_wait3A_60 = arith.constant 0 : i32
      %dma_wait3A_61 = tpu.memref_slice %arg4[%add3A_29, %dma_wait3A_60] : memref<10008x128xf32, #tpu.memory_space<vmem_shared>> -> memref<113x128xf32, #tpu.memory_space<vmem_shared>>
      %dma_wait3A_62 = arith.constant 0 : i32
      %dma_wait3A_63 = arith.constant 0 : i32
      %dma_wait3A_64 = tpu.memref_slice %arg5[%dma_wait3A_62, %dma_wait3A_63] : memref<128x128xf32, #tpu.memory_space<vmem>> -> memref<113x128xf32, #tpu.memory_space<vmem>>
      tpu.wait_dma2 semaphore(%run_scoped3A : memref<!tpu.dma_semaphore, #tpu.memory_space<semaphore_mem>>) src(%dma_wait3A_64 : memref<113x128xf32, #tpu.memory_space<vmem>>) dst(%dma_wait3A_61 : memref<113x128xf32, #tpu.memory_space<vmem_shared>>)
      tpu.yield
    }) : () -> ()
    %scan3A_30 = arith.constant 0 : i32
    %scan3A_31 = arith.constant 0 : i32
    %scan3A_32 = arith.constant 1024 : i32
    %scan3A_33 = arith.addi %scan3A_31, %scan3A_32 : i32
    %scan3A_34 = arith.constant 1 : i32
    %scan3A_35 = scf.for %scan3A_47 = %scan3A_31 to %scan3A_33 step %scan3A_34 iter_args(%scan3A_48 = %scan3A_30) -> (i32)  : i32 {
      %jit3A = arith.constant 8 : i32
      %div3A = arith.divsi %scan3A_47, %jit3A : i32
      %sign3A = arith.constant 0 : i32
      %sign3A_49 = arith.cmpi sgt, %scan3A_47, %sign3A : i32
      %sign3A_50 = arith.extui %sign3A_49 : i1 to i32
      %sign3A_51 = arith.constant 0 : i32
      %sign3A_52 = arith.cmpi slt, %scan3A_47, %sign3A_51 : i32
      %sign3A_53 = arith.extui %sign3A_52 : i1 to i32
      %sign3A_54 = arith.subi %sign3A_50, %sign3A_53 : i32
      %sign3A_55 = arith.constant 0 : i32
      %sign3A_56 = arith.cmpi sgt, %jit3A, %sign3A_55 : i32
      %sign3A_57 = arith.extui %sign3A_56 : i1 to i32
      %sign3A_58 = arith.constant 0 : i32
      %sign3A_59 = arith.cmpi slt, %jit3A, %sign3A_58 : i32
      %sign3A_60 = arith.extui %sign3A_59 : i1 to i32
      %sign3A_61 = arith.subi %sign3A_57, %sign3A_60 : i32
      %ne3A = arith.cmpi ne, %sign3A_54, %sign3A_61 : i32
      %rem3A = arith.remsi %scan3A_47, %jit3A : i32
      %ne3A_62 = arith.constant 0 : i32
      %ne3A_63 = arith.cmpi ne, %rem3A, %ne3A_62 : i32
      %and3A = arith.andi %ne3A, %ne3A_63 : i1
      %sub3A = arith.constant 1 : i32
      %sub3A_64 = arith.subi %div3A, %sub3A : i32
      %select_n3A = arith.select %and3A, %sub3A_64, %div3A : i32
      %jit3A_65 = arith.constant 8 : i32
      %eq3A = arith.constant 0 : i32
      %eq3A_66 = arith.cmpi eq, %jit3A_65, %eq3A : i32
      %jit3A_67 = arith.constant 1 : i32
      %select_n3A_68 = arith.select %eq3A_66, %jit3A_67, %jit3A_65 : i32
      %rem3A_69 = arith.remsi %scan3A_47, %select_n3A_68 : i32
      %ne3A_70 = arith.constant 0 : i32
      %ne3A_71 = arith.cmpi ne, %rem3A_69, %ne3A_70 : i32
      %lt3A = arith.constant 0 : i32
      %lt3A_72 = arith.cmpi slt, %rem3A_69, %lt3A : i32
      %lt3A_73 = arith.constant 0 : i32
      %lt3A_74 = arith.cmpi slt, %select_n3A_68, %lt3A_73 : i32
      %ne3A_75 = arith.xori %lt3A_72, %lt3A_74 : i1
      %and3A_76 = arith.andi %ne3A_75, %ne3A_71 : i1
      %add3A_77 = arith.addi %rem3A_69, %select_n3A_68 : i32
      %select_n3A_78 = arith.select %and3A_76, %add3A_77, %rem3A_69 : i32
      %mul3A_79 = arith.constant 16 : i32
      %mul3A_80 = arith.muli %select_n3A_78, %mul3A_79 : i32
      %swap3A = arith.index_cast %select_n3A : i32 to index
      %swap3A_81 = arith.index_cast %mul3A_80 : i32 to index
      %swap3A_82 = tpu.vector_load %arg5[%swap3A, %swap3A_81] {strides = array<i32>} : memref<128x128xf32, #tpu.memory_space<vmem>>, vector<1x16xf32>,
      %swap3A_83 = vector.shape_cast %swap3A_82 : vector<1x16xf32> to vector<16xf32>
      %swap3A_84 = vector.shape_cast %broadcast_in_dim3A_3 : vector<16xf32> to vector<1x16xf32>
      tpu.vector_store %arg5[%swap3A, %swap3A_81], %swap3A_84 {strides = array<i32>} : memref<128x128xf32, #tpu.memory_space<vmem>>, vector<1x16xf32>,
      %scan3A_85 = arith.constant 0 : i32
      scf.yield %scan3A_85 : i32
    }
    %scan3A_36 = arith.constant 1024 : i32
    "tpu.region"() ({
      %run_scoped3A = tpu.sem_alloc : memref<!tpu.dma_semaphore, #tpu.memory_space<semaphore_mem>>
      %dma_start3A = arith.constant 0 : i32
      %dma_start3A_47 = arith.constant 0 : i32
      %dma_start3A_48 = tpu.memref_slice %arg2[%add3A, %dma_start3A, %dma_start3A_47] : memref<32x79x128xi32, #tpu.memory_space<hbm>> -> memref<1x79x128xi32, #tpu.memory_space<hbm>>
      %dma_start3A_49 = tpu.memref_squeeze %dma_start3A_48 : memref<1x79x128xi32, #tpu.memory_space<hbm>> -> memref<79x128xi32, #tpu.memory_space<hbm>>
      %dma_start3A_50 = arith.constant 0 : i32
      %dma_start3A_51 = arith.constant 0 : i32
      %dma_start3A_52 = tpu.memref_slice %arg2[%add3A, %dma_start3A_50, %dma_start3A_51] : memref<32x79x128xi32, #tpu.memory_space<hbm>> -> memref<1x79x128xi32, #tpu.memory_space<hbm>>
      %dma_start3A_53 = tpu.memref_squeeze %dma_start3A_52 : memref<1x79x128xi32, #tpu.memory_space<hbm>> -> memref<79x128xi32, #tpu.memory_space<hbm>>
      tpu.enqueue_dma source(%dma_start3A_53 : memref<79x128xi32, #tpu.memory_space<hbm>>) target(%arg6 : memref<79x128xi32, #tpu.memory_space<vmem>>) target_semaphore(%run_scoped3A : memref<!tpu.dma_semaphore, #tpu.memory_space<semaphore_mem>>)
      %dma_wait3A = arith.constant 0 : i32
      %dma_wait3A_54 = arith.constant 0 : i32
      %dma_wait3A_55 = tpu.memref_slice %arg2[%add3A, %dma_wait3A, %dma_wait3A_54] : memref<32x79x128xi32, #tpu.memory_space<hbm>> -> memref<1x79x128xi32, #tpu.memory_space<hbm>>
      %dma_wait3A_56 = tpu.memref_squeeze %dma_wait3A_55 : memref<1x79x128xi32, #tpu.memory_space<hbm>> -> memref<79x128xi32, #tpu.memory_space<hbm>>
      %dma_wait3A_57 = arith.constant 0 : i32
      %dma_wait3A_58 = arith.constant 0 : i32
      %dma_wait3A_59 = tpu.memref_slice %arg2[%add3A, %dma_wait3A_57, %dma_wait3A_58] : memref<32x79x128xi32, #tpu.memory_space<hbm>> -> memref<1x79x128xi32, #tpu.memory_space<hbm>>
      %dma_wait3A_60 = tpu.memref_squeeze %dma_wait3A_59 : memref<1x79x128xi32, #tpu.memory_space<hbm>> -> memref<79x128xi32, #tpu.memory_space<hbm>>
      tpu.wait_dma2 semaphore(%run_scoped3A : memref<!tpu.dma_semaphore, #tpu.memory_space<semaphore_mem>>) src(%dma_wait3A_60 : memref<79x128xi32, #tpu.memory_space<hbm>>) dst(%arg6 : memref<79x128xi32, #tpu.memory_space<vmem>>)
      tpu.yield
    }) : () -> ()
    %barrier3A = arith.constant 0 : index
    tpu.barrier barrier_id(%barrier3A)
    %scan3A_37 = arith.constant 0 : i32
    %scan3A_38 = arith.constant 0 : i32
    %scan3A_39 = arith.constant 79 : i32
    %scan3A_40 = arith.addi %scan3A_38, %scan3A_39 : i32
    %scan3A_41 = arith.constant 1 : i32
    %scan3A_42 = scf.for %scan3A_47 = %scan3A_38 to %scan3A_40 step %scan3A_41 iter_args(%scan3A_48 = %scan3A_37) -> (i32)  : i32 {
      "tpu.region"() ({
        %run_scoped3A = tpu.sem_alloc : memref<!tpu.dma_semaphore, #tpu.memory_space<semaphore_mem>>
        %dma_start3A = arith.constant 0 : i32
        %dma_start3A_50 = tpu.memref_slice %arg6[%scan3A_47, %dma_start3A] : memref<79x128xi32, #tpu.memory_space<vmem>> -> memref<1x128xi32, #tpu.memory_space<vmem>>
        %dma_start3A_51 = tpu.memref_squeeze %dma_start3A_50 : memref<1x128xi32, #tpu.memory_space<vmem>> -> memref<128xi32, #tpu.memory_space<vmem>>
        %dma_start3A_52 = arith.constant 0 : i32
        %dma_start3A_53 = arith.constant 0 : i32
        %dma_start3A_54 = tpu.memref_slice %arg4[%dma_start3A_52, %dma_start3A_53] : memref<10008x128xf32, #tpu.memory_space<vmem_shared>> -> memref<10008x128xf32, #tpu.memory_space<vmem_shared>>
        tpu.enqueue_indirect_dma source(%arg5 : memref<128x128xf32, #tpu.memory_space<vmem>>) target(%dma_start3A_54 : memref<10008x128xf32, #tpu.memory_space<vmem_shared>>) offsets(%dma_start3A_51 : memref<128xi32, #tpu.memory_space<vmem>>) semaphore(%run_scoped3A : memref<!tpu.dma_semaphore, #tpu.memory_space<semaphore_mem>>) {add = true}
        %dma_wait3A = arith.constant 0 : i32
        %dma_wait3A_55 = tpu.memref_slice %arg6[%scan3A_47, %dma_wait3A] : memref<79x128xi32, #tpu.memory_space<vmem>> -> memref<1x128xi32, #tpu.memory_space<vmem>>
        %dma_wait3A_56 = tpu.memref_squeeze %dma_wait3A_55 : memref<1x128xi32, #tpu.memory_space<vmem>> -> memref<128xi32, #tpu.memory_space<vmem>>
        %dma_wait3A_57 = arith.constant 0 : i32
        %dma_wait3A_58 = arith.constant 0 : i32
        %dma_wait3A_59 = tpu.memref_slice %arg4[%dma_wait3A_57, %dma_wait3A_58] : memref<10008x128xf32, #tpu.memory_space<vmem_shared>> -> memref<10008x128xf32, #tpu.memory_space<vmem_shared>>
        tpu.wait_indirect_dma semaphore(%run_scoped3A : memref<!tpu.dma_semaphore, #tpu.memory_space<semaphore_mem>>) src(%arg5 : memref<128x128xf32, #tpu.memory_space<vmem>>) dst(%dma_wait3A_59 : memref<10008x128xf32, #tpu.memory_space<vmem_shared>>)
        tpu.yield
      }) : () -> ()
      %scan3A_49 = arith.constant 0 : i32
      scf.yield %scan3A_49 : i32
    }
    %scan3A_43 = arith.constant 79 : i32
    %barrier3A_44 = arith.constant 0 : index
    tpu.barrier barrier_id(%barrier3A_44)
    %mul3A_45 = arith.constant 625 : i32
    %mul3A_46 = arith.muli %arg1, %mul3A_45 : i32
    "tpu.region"() ({
      %run_scoped3A = tpu.sem_alloc : memref<!tpu.dma_semaphore, #tpu.memory_space<semaphore_mem>>
      %dma_start3A = arith.constant 0 : i32
      %dma_start3A_47 = arith.constant 0 : i32
      %dma_start3A_48 = tpu.memref_slice %arg3[%arg0, %arg1, %dma_start3A, %dma_start3A_47] : memref<2x16x625x128xf32, #tpu.memory_space<hbm>> -> memref<1x1x625x128xf32, #tpu.memory_space<hbm>>
      %dma_start3A_49 = tpu.memref_squeeze %dma_start3A_48 : memref<1x1x625x128xf32, #tpu.memory_space<hbm>> -> memref<625x128xf32, #tpu.memory_space<hbm>>
      %dma_start3A_50 = arith.constant 0 : i32
      %dma_start3A_51 = tpu.memref_slice %arg4[%mul3A_46, %dma_start3A_50] : memref<10008x128xf32, #tpu.memory_space<vmem_shared>> -> memref<625x128xf32, #tpu.memory_space<vmem_shared>>
      tpu.enqueue_dma source(%dma_start3A_51 : memref<625x128xf32, #tpu.memory_space<vmem_shared>>) target(%dma_start3A_49 : memref<625x128xf32, #tpu.memory_space<hbm>>) target_semaphore(%run_scoped3A : memref<!tpu.dma_semaphore, #tpu.memory_space<semaphore_mem>>)
      %dma_wait3A = arith.constant 0 : i32
      %dma_wait3A_52 = arith.constant 0 : i32
      %dma_wait3A_53 = tpu.memref_slice %arg3[%arg0, %arg1, %dma_wait3A, %dma_wait3A_52] : memref<2x16x625x128xf32, #tpu.memory_space<hbm>> -> memref<1x1x625x128xf32, #tpu.memory_space<hbm>>
      %dma_wait3A_54 = tpu.memref_squeeze %dma_wait3A_53 : memref<1x1x625x128xf32, #tpu.memory_space<hbm>> -> memref<625x128xf32, #tpu.memory_space<hbm>>
      %dma_wait3A_55 = arith.constant 0 : i32
      %dma_wait3A_56 = tpu.memref_slice %arg4[%mul3A_46, %dma_wait3A_55] : memref<10008x128xf32, #tpu.memory_space<vmem_shared>> -> memref<625x128xf32, #tpu.memory_space<vmem_shared>>
      tpu.wait_dma2 semaphore(%run_scoped3A : memref<!tpu.dma_semaphore, #tpu.memory_space<semaphore_mem>>) src(%dma_wait3A_56 : memref<625x128xf32, #tpu.memory_space<vmem_shared>>) dst(%dma_wait3A_54 : memref<625x128xf32, #tpu.memory_space<hbm>>)
      tpu.yield
    }) : () -> ()
    return
  }
}

#map = affine_map<(d0, d1) -> (0, 0)>
#map1 = affine_map<(d0, d1) -> (0)>
#map2 = affine_map<(d0, d1) -> (0, 0, 0, 0)>
module attributes {stable_mosaic.version = 14 : i64} {
  func.func @sc_fn(%arg0: i32, %arg1: i32, %arg2: memref<10000x128xf32, #tpu.memory_space<hbm>>, %arg3: memref<323584xi32, #tpu.memory_space<hbm>>, %arg4: memref<323584xi32, #tpu.memory_space<hbm>>, %arg5: memref<2x16x625x128xf32, #tpu.memory_space<hbm>>, %arg6: memref<10008x128xf32, #tpu.memory_space<vmem_shared>>, %arg7: memref<128xi32, #tpu.memory_space<vmem>>, %arg8: memref<128xi32, #tpu.memory_space<vmem>>, %arg9: memref<128x128xf32, #tpu.memory_space<vmem>>, %arg10: memref<!tpu.dma_semaphore, #tpu.memory_space<semaphore_mem>>) attributes {dimension_semantics = [#tpu.dimension_semantics<core_parallel>, #tpu.dimension_semantics<subcore_parallel>], iteration_bounds = array<i64: 2, 16>, scalar_prefetch = 0 : i64, scratch_operands = 5 : i64, tpu.core_type = #tpu.core_type<sc_vector_subcore>, window_params = [{transform_indices = #map}, {transform_indices = #map1}, {transform_indices = #map1}, {transform_indices = #map2}]} {
    %broadcast_in_dim3A = arith.constant 0.000000e+00 : f32
    %broadcast_in_dim3A_0 = vector.broadcast %broadcast_in_dim3A : f32 to vector<16xf32>
    %scan3A = arith.constant 0 : i32
    %scan3A_1 = arith.constant 0 : i32
    %scan3A_2 = arith.constant 1024 : i32
    %scan3A_3 = arith.addi %scan3A_1, %scan3A_2 : i32
    %scan3A_4 = arith.constant 1 : i32
    %scan3A_5 = scf.for %scan3A_40 = %scan3A_1 to %scan3A_3 step %scan3A_4 iter_args(%scan3A_41 = %scan3A) -> (i32)  : i32 {
      %jit3A = arith.constant 8 : i32
      %div3A = arith.divsi %scan3A_40, %jit3A : i32
      %sign3A = arith.constant 0 : i32
      %sign3A_42 = arith.cmpi sgt, %scan3A_40, %sign3A : i32
      %sign3A_43 = arith.extui %sign3A_42 : i1 to i32
      %sign3A_44 = arith.constant 0 : i32
      %sign3A_45 = arith.cmpi slt, %scan3A_40, %sign3A_44 : i32
      %sign3A_46 = arith.extui %sign3A_45 : i1 to i32
      %sign3A_47 = arith.subi %sign3A_43, %sign3A_46 : i32
      %sign3A_48 = arith.constant 0 : i32
      %sign3A_49 = arith.cmpi sgt, %jit3A, %sign3A_48 : i32
      %sign3A_50 = arith.extui %sign3A_49 : i1 to i32
      %sign3A_51 = arith.constant 0 : i32
      %sign3A_52 = arith.cmpi slt, %jit3A, %sign3A_51 : i32
      %sign3A_53 = arith.extui %sign3A_52 : i1 to i32
      %sign3A_54 = arith.subi %sign3A_50, %sign3A_53 : i32
      %ne3A = arith.cmpi ne, %sign3A_47, %sign3A_54 : i32
      %rem3A = arith.remsi %scan3A_40, %jit3A : i32
      %ne3A_55 = arith.constant 0 : i32
      %ne3A_56 = arith.cmpi ne, %rem3A, %ne3A_55 : i32
      %and3A = arith.andi %ne3A, %ne3A_56 : i1
      %sub3A = arith.constant 1 : i32
      %sub3A_57 = arith.subi %div3A, %sub3A : i32
      %select_n3A = arith.select %and3A, %sub3A_57, %div3A : i32
      %jit3A_58 = arith.constant 8 : i32
      %eq3A = arith.constant 0 : i32
      %eq3A_59 = arith.cmpi eq, %jit3A_58, %eq3A : i32
      %jit3A_60 = arith.constant 1 : i32
      %select_n3A_61 = arith.select %eq3A_59, %jit3A_60, %jit3A_58 : i32
      %rem3A_62 = arith.remsi %scan3A_40, %select_n3A_61 : i32
      %ne3A_63 = arith.constant 0 : i32
      %ne3A_64 = arith.cmpi ne, %rem3A_62, %ne3A_63 : i32
      %lt3A = arith.constant 0 : i32
      %lt3A_65 = arith.cmpi slt, %rem3A_62, %lt3A : i32
      %lt3A_66 = arith.constant 0 : i32
      %lt3A_67 = arith.cmpi slt, %select_n3A_61, %lt3A_66 : i32
      %ne3A_68 = arith.xori %lt3A_65, %lt3A_67 : i1
      %and3A_69 = arith.andi %ne3A_68, %ne3A_64 : i1
      %add3A_70 = arith.addi %rem3A_62, %select_n3A_61 : i32
      %select_n3A_71 = arith.select %and3A_69, %add3A_70, %rem3A_62 : i32
      %mul3A_72 = arith.constant 16 : i32
      %mul3A_73 = arith.muli %select_n3A_71, %mul3A_72 : i32
      %swap3A = arith.index_cast %select_n3A : i32 to index
      %swap3A_74 = arith.index_cast %mul3A_73 : i32 to index
      %swap3A_75 = tpu.vector_load %arg9[%swap3A, %swap3A_74] {strides = array<i32>} : memref<128x128xf32, #tpu.memory_space<vmem>>, vector<1x16xf32>,
      %swap3A_76 = vector.shape_cast %swap3A_75 : vector<1x16xf32> to vector<16xf32>
      %swap3A_77 = vector.shape_cast %broadcast_in_dim3A_0 : vector<16xf32> to vector<1x16xf32>
      tpu.vector_store %arg9[%swap3A, %swap3A_74], %swap3A_77 {strides = array<i32>} : memref<128x128xf32, #tpu.memory_space<vmem>>, vector<1x16xf32>,
      %scan3A_78 = arith.constant 0 : i32
      scf.yield %scan3A_78 : i32
    }
    %scan3A_6 = arith.constant 1024 : i32
    %mul3A = arith.constant 625 : i32
    %mul3A_7 = arith.muli %arg1, %mul3A : i32
    %add3A = arith.constant 0 : i32
    %add3A_8 = arith.addi %mul3A_7, %add3A : i32
    "tpu.region"() ({
      %run_scoped3A = tpu.sem_alloc : memref<!tpu.dma_semaphore, #tpu.memory_space<semaphore_mem>>
      %dma_start3A = arith.constant 0 : i32
      %dma_start3A_40 = tpu.memref_slice %arg6[%add3A_8, %dma_start3A] : memref<10008x128xf32, #tpu.memory_space<vmem_shared>> -> memref<128x128xf32, #tpu.memory_space<vmem_shared>>
      %dma_start3A_41 = arith.constant 0 : i32
      %dma_start3A_42 = tpu.memref_slice %arg6[%add3A_8, %dma_start3A_41] : memref<10008x128xf32, #tpu.memory_space<vmem_shared>> -> memref<128x128xf32, #tpu.memory_space<vmem_shared>>
      tpu.enqueue_dma source(%arg9 : memref<128x128xf32, #tpu.memory_space<vmem>>) target(%dma_start3A_42 : memref<128x128xf32, #tpu.memory_space<vmem_shared>>) target_semaphore(%run_scoped3A : memref<!tpu.dma_semaphore, #tpu.memory_space<semaphore_mem>>)
      %dma_wait3A = arith.constant 0 : i32
      %dma_wait3A_43 = tpu.memref_slice %arg6[%add3A_8, %dma_wait3A] : memref<10008x128xf32, #tpu.memory_space<vmem_shared>> -> memref<128x128xf32, #tpu.memory_space<vmem_shared>>
      %dma_wait3A_44 = arith.constant 0 : i32
      %dma_wait3A_45 = tpu.memref_slice %arg6[%add3A_8, %dma_wait3A_44] : memref<10008x128xf32, #tpu.memory_space<vmem_shared>> -> memref<128x128xf32, #tpu.memory_space<vmem_shared>>
      tpu.wait_dma2 semaphore(%run_scoped3A : memref<!tpu.dma_semaphore, #tpu.memory_space<semaphore_mem>>) src(%arg9 : memref<128x128xf32, #tpu.memory_space<vmem>>) dst(%dma_wait3A_45 : memref<128x128xf32, #tpu.memory_space<vmem_shared>>)
      tpu.yield
    }) : () -> ()
    %mul3A_9 = arith.constant 625 : i32
    %mul3A_10 = arith.muli %arg1, %mul3A_9 : i32
    %add3A_11 = arith.constant 128 : i32
    %add3A_12 = arith.addi %mul3A_10, %add3A_11 : i32
    "tpu.region"() ({
      %run_scoped3A = tpu.sem_alloc : memref<!tpu.dma_semaphore, #tpu.memory_space<semaphore_mem>>
      %dma_start3A = arith.constant 0 : i32
      %dma_start3A_40 = tpu.memref_slice %arg6[%add3A_12, %dma_start3A] : memref<10008x128xf32, #tpu.memory_space<vmem_shared>> -> memref<128x128xf32, #tpu.memory_space<vmem_shared>>
      %dma_start3A_41 = arith.constant 0 : i32
      %dma_start3A_42 = tpu.memref_slice %arg6[%add3A_12, %dma_start3A_41] : memref<10008x128xf32, #tpu.memory_space<vmem_shared>> -> memref<128x128xf32, #tpu.memory_space<vmem_shared>>
      tpu.enqueue_dma source(%arg9 : memref<128x128xf32, #tpu.memory_space<vmem>>) target(%dma_start3A_42 : memref<128x128xf32, #tpu.memory_space<vmem_shared>>) target_semaphore(%run_scoped3A : memref<!tpu.dma_semaphore, #tpu.memory_space<semaphore_mem>>)
      %dma_wait3A = arith.constant 0 : i32
      %dma_wait3A_43 = tpu.memref_slice %arg6[%add3A_12, %dma_wait3A] : memref<10008x128xf32, #tpu.memory_space<vmem_shared>> -> memref<128x128xf32, #tpu.memory_space<vmem_shared>>
      %dma_wait3A_44 = arith.constant 0 : i32
      %dma_wait3A_45 = tpu.memref_slice %arg6[%add3A_12, %dma_wait3A_44] : memref<10008x128xf32, #tpu.memory_space<vmem_shared>> -> memref<128x128xf32, #tpu.memory_space<vmem_shared>>
      tpu.wait_dma2 semaphore(%run_scoped3A : memref<!tpu.dma_semaphore, #tpu.memory_space<semaphore_mem>>) src(%arg9 : memref<128x128xf32, #tpu.memory_space<vmem>>) dst(%dma_wait3A_45 : memref<128x128xf32, #tpu.memory_space<vmem_shared>>)
      tpu.yield
    }) : () -> ()
    %mul3A_13 = arith.constant 625 : i32
    %mul3A_14 = arith.muli %arg1, %mul3A_13 : i32
    %add3A_15 = arith.constant 256 : i32
    %add3A_16 = arith.addi %mul3A_14, %add3A_15 : i32
    "tpu.region"() ({
      %run_scoped3A = tpu.sem_alloc : memref<!tpu.dma_semaphore, #tpu.memory_space<semaphore_mem>>
      %dma_start3A = arith.constant 0 : i32
      %dma_start3A_40 = tpu.memref_slice %arg6[%add3A_16, %dma_start3A] : memref<10008x128xf32, #tpu.memory_space<vmem_shared>> -> memref<128x128xf32, #tpu.memory_space<vmem_shared>>
      %dma_start3A_41 = arith.constant 0 : i32
      %dma_start3A_42 = tpu.memref_slice %arg6[%add3A_16, %dma_start3A_41] : memref<10008x128xf32, #tpu.memory_space<vmem_shared>> -> memref<128x128xf32, #tpu.memory_space<vmem_shared>>
      tpu.enqueue_dma source(%arg9 : memref<128x128xf32, #tpu.memory_space<vmem>>) target(%dma_start3A_42 : memref<128x128xf32, #tpu.memory_space<vmem_shared>>) target_semaphore(%run_scoped3A : memref<!tpu.dma_semaphore, #tpu.memory_space<semaphore_mem>>)
      %dma_wait3A = arith.constant 0 : i32
      %dma_wait3A_43 = tpu.memref_slice %arg6[%add3A_16, %dma_wait3A] : memref<10008x128xf32, #tpu.memory_space<vmem_shared>> -> memref<128x128xf32, #tpu.memory_space<vmem_shared>>
      %dma_wait3A_44 = arith.constant 0 : i32
      %dma_wait3A_45 = tpu.memref_slice %arg6[%add3A_16, %dma_wait3A_44] : memref<10008x128xf32, #tpu.memory_space<vmem_shared>> -> memref<128x128xf32, #tpu.memory_space<vmem_shared>>
      tpu.wait_dma2 semaphore(%run_scoped3A : memref<!tpu.dma_semaphore, #tpu.memory_space<semaphore_mem>>) src(%arg9 : memref<128x128xf32, #tpu.memory_space<vmem>>) dst(%dma_wait3A_45 : memref<128x128xf32, #tpu.memory_space<vmem_shared>>)
      tpu.yield
    }) : () -> ()
    %mul3A_17 = arith.constant 625 : i32
    %mul3A_18 = arith.muli %arg1, %mul3A_17 : i32
    %add3A_19 = arith.constant 384 : i32
    %add3A_20 = arith.addi %mul3A_18, %add3A_19 : i32
    "tpu.region"() ({
      %run_scoped3A = tpu.sem_alloc : memref<!tpu.dma_semaphore, #tpu.memory_space<semaphore_mem>>
      %dma_start3A = arith.constant 0 : i32
      %dma_start3A_40 = tpu.memref_slice %arg6[%add3A_20, %dma_start3A] : memref<10008x128xf32, #tpu.memory_space<vmem_shared>> -> memref<128x128xf32, #tpu.memory_space<vmem_shared>>
      %dma_start3A_41 = arith.constant 0 : i32
      %dma_start3A_42 = tpu.memref_slice %arg6[%add3A_20, %dma_start3A_41] : memref<10008x128xf32, #tpu.memory_space<vmem_shared>> -> memref<128x128xf32, #tpu.memory_space<vmem_shared>>
      tpu.enqueue_dma source(%arg9 : memref<128x128xf32, #tpu.memory_space<vmem>>) target(%dma_start3A_42 : memref<128x128xf32, #tpu.memory_space<vmem_shared>>) target_semaphore(%run_scoped3A : memref<!tpu.dma_semaphore, #tpu.memory_space<semaphore_mem>>)
      %dma_wait3A = arith.constant 0 : i32
      %dma_wait3A_43 = tpu.memref_slice %arg6[%add3A_20, %dma_wait3A] : memref<10008x128xf32, #tpu.memory_space<vmem_shared>> -> memref<128x128xf32, #tpu.memory_space<vmem_shared>>
      %dma_wait3A_44 = arith.constant 0 : i32
      %dma_wait3A_45 = tpu.memref_slice %arg6[%add3A_20, %dma_wait3A_44] : memref<10008x128xf32, #tpu.memory_space<vmem_shared>> -> memref<128x128xf32, #tpu.memory_space<vmem_shared>>
      tpu.wait_dma2 semaphore(%run_scoped3A : memref<!tpu.dma_semaphore, #tpu.memory_space<semaphore_mem>>) src(%arg9 : memref<128x128xf32, #tpu.memory_space<vmem>>) dst(%dma_wait3A_45 : memref<128x128xf32, #tpu.memory_space<vmem_shared>>)
      tpu.yield
    }) : () -> ()
    %mul3A_21 = arith.constant 625 : i32
    %mul3A_22 = arith.muli %arg1, %mul3A_21 : i32
    %add3A_23 = arith.constant 512 : i32
    %add3A_24 = arith.addi %mul3A_22, %add3A_23 : i32
    "tpu.region"() ({
      %run_scoped3A = tpu.sem_alloc : memref<!tpu.dma_semaphore, #tpu.memory_space<semaphore_mem>>
      %dma_start3A = arith.constant 0 : i32
      %dma_start3A_40 = arith.constant 0 : i32
      %dma_start3A_41 = tpu.memref_slice %arg9[%dma_start3A, %dma_start3A_40] : memref<128x128xf32, #tpu.memory_space<vmem>> -> memref<113x128xf32, #tpu.memory_space<vmem>>
      %dma_start3A_42 = arith.constant 0 : i32
      %dma_start3A_43 = tpu.memref_slice %arg6[%add3A_24, %dma_start3A_42] : memref<10008x128xf32, #tpu.memory_space<vmem_shared>> -> memref<113x128xf32, #tpu.memory_space<vmem_shared>>
      %dma_start3A_44 = arith.constant 0 : i32
      %dma_start3A_45 = tpu.memref_slice %arg6[%add3A_24, %dma_start3A_44] : memref<10008x128xf32, #tpu.memory_space<vmem_shared>> -> memref<113x128xf32, #tpu.memory_space<vmem_shared>>
      %dma_start3A_46 = arith.constant 0 : i32
      %dma_start3A_47 = arith.constant 0 : i32
      %dma_start3A_48 = tpu.memref_slice %arg9[%dma_start3A_46, %dma_start3A_47] : memref<128x128xf32, #tpu.memory_space<vmem>> -> memref<113x128xf32, #tpu.memory_space<vmem>>
      tpu.enqueue_dma source(%dma_start3A_48 : memref<113x128xf32, #tpu.memory_space<vmem>>) target(%dma_start3A_45 : memref<113x128xf32, #tpu.memory_space<vmem_shared>>) target_semaphore(%run_scoped3A : memref<!tpu.dma_semaphore, #tpu.memory_space<semaphore_mem>>)
      %dma_wait3A = arith.constant 0 : i32
      %dma_wait3A_49 = arith.constant 0 : i32
      %dma_wait3A_50 = tpu.memref_slice %arg9[%dma_wait3A, %dma_wait3A_49] : memref<128x128xf32, #tpu.memory_space<vmem>> -> memref<113x128xf32, #tpu.memory_space<vmem>>
      %dma_wait3A_51 = arith.constant 0 : i32
      %dma_wait3A_52 = tpu.memref_slice %arg6[%add3A_24, %dma_wait3A_51] : memref<10008x128xf32, #tpu.memory_space<vmem_shared>> -> memref<113x128xf32, #tpu.memory_space<vmem_shared>>
      %dma_wait3A_53 = arith.constant 0 : i32
      %dma_wait3A_54 = tpu.memref_slice %arg6[%add3A_24, %dma_wait3A_53] : memref<10008x128xf32, #tpu.memory_space<vmem_shared>> -> memref<113x128xf32, #tpu.memory_space<vmem_shared>>
      %dma_wait3A_55 = arith.constant 0 : i32
      %dma_wait3A_56 = arith.constant 0 : i32
      %dma_wait3A_57 = tpu.memref_slice %arg9[%dma_wait3A_55, %dma_wait3A_56] : memref<128x128xf32, #tpu.memory_space<vmem>> -> memref<113x128xf32, #tpu.memory_space<vmem>>
      tpu.wait_dma2 semaphore(%run_scoped3A : memref<!tpu.dma_semaphore, #tpu.memory_space<semaphore_mem>>) src(%dma_wait3A_57 : memref<113x128xf32, #tpu.memory_space<vmem>>) dst(%dma_wait3A_54 : memref<113x128xf32, #tpu.memory_space<vmem_shared>>)
      tpu.yield
    }) : () -> ()
    %barrier3A = arith.constant 0 : index
    tpu.barrier barrier_id(%barrier3A)
    %mul3A_25 = arith.constant 16 : i32
    %mul3A_26 = arith.muli %arg0, %mul3A_25 : i32
    %add3A_27 = arith.addi %mul3A_26, %arg1 : i32
    %mul3A_28 = arith.constant 10112 : i32
    %mul3A_29 = arith.muli %add3A_27, %mul3A_28 : i32
    %scan3A_30 = arith.constant 0 : i32
    %scan3A_31 = arith.constant 0 : i32
    %scan3A_32 = arith.constant 79 : i32
    %scan3A_33 = arith.addi %scan3A_31, %scan3A_32 : i32
    %scan3A_34 = arith.constant 1 : i32
    %scan3A_35 = scf.for %scan3A_40 = %scan3A_31 to %scan3A_33 step %scan3A_34 iter_args(%scan3A_41 = %scan3A_30) -> (i32)  : i32 {
      %mul3A_42 = arith.constant 128 : i32
      %mul3A_43 = arith.muli %scan3A_40, %mul3A_42 : i32
      %add3A_44 = arith.addi %mul3A_29, %mul3A_43 : i32
      "tpu.region"() ({
        %run_scoped3A = tpu.sem_alloc : memref<!tpu.dma_semaphore, #tpu.memory_space<semaphore_mem>>
        %dma_start3A_53 = tpu.memref_slice %arg3[%add3A_44] : memref<323584xi32, #tpu.memory_space<hbm>> -> memref<128xi32, #tpu.memory_space<hbm>>
        %dma_start3A_54 = tpu.memref_slice %arg3[%add3A_44] : memref<323584xi32, #tpu.memory_space<hbm>> -> memref<128xi32, #tpu.memory_space<hbm>>
        tpu.enqueue_dma source(%dma_start3A_54 : memref<128xi32, #tpu.memory_space<hbm>>) target(%arg7 : memref<128xi32, #tpu.memory_space<vmem>>) target_semaphore(%run_scoped3A : memref<!tpu.dma_semaphore, #tpu.memory_space<semaphore_mem>>)
        %dma_wait3A_55 = tpu.memref_slice %arg3[%add3A_44] : memref<323584xi32, #tpu.memory_space<hbm>> -> memref<128xi32, #tpu.memory_space<hbm>>
        %dma_wait3A_56 = tpu.memref_slice %arg3[%add3A_44] : memref<323584xi32, #tpu.memory_space<hbm>> -> memref<128xi32, #tpu.memory_space<hbm>>
        tpu.wait_dma2 semaphore(%run_scoped3A : memref<!tpu.dma_semaphore, #tpu.memory_space<semaphore_mem>>) src(%dma_wait3A_56 : memref<128xi32, #tpu.memory_space<hbm>>) dst(%arg7 : memref<128xi32, #tpu.memory_space<vmem>>)
        tpu.yield
      }) : () -> ()
      %dma_start3A = arith.constant 0 : i32
      %dma_start3A_45 = arith.constant 0 : i32
      %dma_start3A_46 = tpu.memref_slice %arg2[%dma_start3A, %dma_start3A_45] : memref<10000x128xf32, #tpu.memory_space<hbm>> -> memref<10000x128xf32, #tpu.memory_space<hbm>>
      tpu.enqueue_indirect_dma source(%dma_start3A_46 : memref<10000x128xf32, #tpu.memory_space<hbm>>) target(%arg9 : memref<128x128xf32, #tpu.memory_space<vmem>>) offsets(%arg7 : memref<128xi32, #tpu.memory_space<vmem>>) semaphore(%arg10 : memref<!tpu.dma_semaphore, #tpu.memory_space<semaphore_mem>>)
      %mul3A_47 = arith.constant 128 : i32
      %mul3A_48 = arith.muli %scan3A_40, %mul3A_47 : i32
      %add3A_49 = arith.addi %mul3A_29, %mul3A_48 : i32
      "tpu.region"() ({
        %run_scoped3A = tpu.sem_alloc : memref<!tpu.dma_semaphore, #tpu.memory_space<semaphore_mem>>
        %dma_start3A_53 = tpu.memref_slice %arg4[%add3A_49] : memref<323584xi32, #tpu.memory_space<hbm>> -> memref<128xi32, #tpu.memory_space<hbm>>
        %dma_start3A_54 = tpu.memref_slice %arg4[%add3A_49] : memref<323584xi32, #tpu.memory_space<hbm>> -> memref<128xi32, #tpu.memory_space<hbm>>
        tpu.enqueue_dma source(%dma_start3A_54 : memref<128xi32, #tpu.memory_space<hbm>>) target(%arg8 : memref<128xi32, #tpu.memory_space<vmem>>) target_semaphore(%run_scoped3A : memref<!tpu.dma_semaphore, #tpu.memory_space<semaphore_mem>>)
        %dma_wait3A_55 = tpu.memref_slice %arg4[%add3A_49] : memref<323584xi32, #tpu.memory_space<hbm>> -> memref<128xi32, #tpu.memory_space<hbm>>
        %dma_wait3A_56 = tpu.memref_slice %arg4[%add3A_49] : memref<323584xi32, #tpu.memory_space<hbm>> -> memref<128xi32, #tpu.memory_space<hbm>>
        tpu.wait_dma2 semaphore(%run_scoped3A : memref<!tpu.dma_semaphore, #tpu.memory_space<semaphore_mem>>) src(%dma_wait3A_56 : memref<128xi32, #tpu.memory_space<hbm>>) dst(%arg8 : memref<128xi32, #tpu.memory_space<vmem>>)
        tpu.yield
      }) : () -> ()
      %dma_wait3A = arith.constant 0 : i32
      %dma_wait3A_50 = arith.constant 0 : i32
      %dma_wait3A_51 = tpu.memref_slice %arg2[%dma_wait3A, %dma_wait3A_50] : memref<10000x128xf32, #tpu.memory_space<hbm>> -> memref<10000x128xf32, #tpu.memory_space<hbm>>
      tpu.wait_indirect_dma semaphore(%arg10 : memref<!tpu.dma_semaphore, #tpu.memory_space<semaphore_mem>>) src(%dma_wait3A_51 : memref<10000x128xf32, #tpu.memory_space<hbm>>) dst(%arg9 : memref<128x128xf32, #tpu.memory_space<vmem>>)
      "tpu.region"() ({
        %run_scoped3A = tpu.sem_alloc : memref<!tpu.dma_semaphore, #tpu.memory_space<semaphore_mem>>
        %dma_start3A_53 = arith.constant 0 : i32
        %dma_start3A_54 = arith.constant 0 : i32
        %dma_start3A_55 = tpu.memref_slice %arg6[%dma_start3A_53, %dma_start3A_54] : memref<10008x128xf32, #tpu.memory_space<vmem_shared>> -> memref<10008x128xf32, #tpu.memory_space<vmem_shared>>
        tpu.enqueue_indirect_dma source(%arg9 : memref<128x128xf32, #tpu.memory_space<vmem>>) target(%dma_start3A_55 : memref<10008x128xf32, #tpu.memory_space<vmem_shared>>) offsets(%arg8 : memref<128xi32, #tpu.memory_space<vmem>>) semaphore(%run_scoped3A : memref<!tpu.dma_semaphore, #tpu.memory_space<semaphore_mem>>) {add = true}
        %dma_wait3A_56 = arith.constant 0 : i32
        %dma_wait3A_57 = arith.constant 0 : i32
        %dma_wait3A_58 = tpu.memref_slice %arg6[%dma_wait3A_56, %dma_wait3A_57] : memref<10008x128xf32, #tpu.memory_space<vmem_shared>> -> memref<10008x128xf32, #tpu.memory_space<vmem_shared>>
        tpu.wait_indirect_dma semaphore(%run_scoped3A : memref<!tpu.dma_semaphore, #tpu.memory_space<semaphore_mem>>) src(%arg9 : memref<128x128xf32, #tpu.memory_space<vmem>>) dst(%dma_wait3A_58 : memref<10008x128xf32, #tpu.memory_space<vmem_shared>>)
        tpu.yield
      }) : () -> ()
      %scan3A_52 = arith.constant 0 : i32
      scf.yield %scan3A_52 : i32
    }
    %scan3A_36 = arith.constant 79 : i32
    %barrier3A_37 = arith.constant 0 : index
    tpu.barrier barrier_id(%barrier3A_37)
    %mul3A_38 = arith.constant 625 : i32
    %mul3A_39 = arith.muli %arg1, %mul3A_38 : i32
    "tpu.region"() ({
      %run_scoped3A = tpu.sem_alloc : memref<!tpu.dma_semaphore, #tpu.memory_space<semaphore_mem>>
      %dma_start3A = arith.constant 0 : i32
      %dma_start3A_40 = arith.constant 0 : i32
      %dma_start3A_41 = tpu.memref_slice %arg5[%arg0, %arg1, %dma_start3A, %dma_start3A_40] : memref<2x16x625x128xf32, #tpu.memory_space<hbm>> -> memref<1x1x625x128xf32, #tpu.memory_space<hbm>>
      %dma_start3A_42 = tpu.memref_squeeze %dma_start3A_41 : memref<1x1x625x128xf32, #tpu.memory_space<hbm>> -> memref<625x128xf32, #tpu.memory_space<hbm>>
      %dma_start3A_43 = arith.constant 0 : i32
      %dma_start3A_44 = tpu.memref_slice %arg6[%mul3A_39, %dma_start3A_43] : memref<10008x128xf32, #tpu.memory_space<vmem_shared>> -> memref<625x128xf32, #tpu.memory_space<vmem_shared>>
      tpu.enqueue_dma source(%dma_start3A_44 : memref<625x128xf32, #tpu.memory_space<vmem_shared>>) target(%dma_start3A_42 : memref<625x128xf32, #tpu.memory_space<hbm>>) target_semaphore(%run_scoped3A : memref<!tpu.dma_semaphore, #tpu.memory_space<semaphore_mem>>)
      %dma_wait3A = arith.constant 0 : i32
      %dma_wait3A_45 = arith.constant 0 : i32
      %dma_wait3A_46 = tpu.memref_slice %arg5[%arg0, %arg1, %dma_wait3A, %dma_wait3A_45] : memref<2x16x625x128xf32, #tpu.memory_space<hbm>> -> memref<1x1x625x128xf32, #tpu.memory_space<hbm>>
      %dma_wait3A_47 = tpu.memref_squeeze %dma_wait3A_46 : memref<1x1x625x128xf32, #tpu.memory_space<hbm>> -> memref<625x128xf32, #tpu.memory_space<hbm>>
      %dma_wait3A_48 = arith.constant 0 : i32
      %dma_wait3A_49 = tpu.memref_slice %arg6[%mul3A_39, %dma_wait3A_48] : memref<10008x128xf32, #tpu.memory_space<vmem_shared>> -> memref<625x128xf32, #tpu.memory_space<vmem_shared>>
      tpu.wait_dma2 semaphore(%run_scoped3A : memref<!tpu.dma_semaphore, #tpu.memory_space<semaphore_mem>>) src(%dma_wait3A_49 : memref<625x128xf32, #tpu.memory_space<vmem_shared>>) dst(%dma_wait3A_47 : memref<625x128xf32, #tpu.memory_space<hbm>>)
      tpu.yield
    }) : () -> ()
    return
  }
}

module attributes {stable_mosaic.version = 14 : i64} {
  func.func @_tc_body(%arg0: i32, %arg1: memref<1000x128xf32, #tpu.memory_space<vmem>>, %arg2: memref<1000x128xf32, #tpu.memory_space<vmem>>, %arg3: memref<1000x128xf32, #tpu.memory_space<vmem>>, %arg4: memref<1000x128xf32, #tpu.memory_space<vmem>>, %arg5: memref<1000x128xf32, #tpu.memory_space<vmem>>, %arg6: memref<128x128xf32, #tpu.memory_space<vmem>>, %arg7: memref<128x128xf32, #tpu.memory_space<vmem>>, %arg8: memref<1x128xf32, #tpu.memory_space<vmem>>, %arg9: memref<1000x128xf32, #tpu.memory_space<vmem>>) attributes {dimension_semantics = [#tpu.dimension_semantics<arbitrary>], iteration_bounds = array<i64: 10>, scalar_prefetch = 0 : i64, scratch_operands = 0 : i64, tpu.core_type = #tpu.core_type<tc>, window_params = [{transform_indices = @transform_0, window_bounds = array<i64: 1000, 128>}, {transform_indices = @transform_1, window_bounds = array<i64: 1000, 128>}, {transform_indices = @transform_2, window_bounds = array<i64: 1000, 128>}, {transform_indices = @transform_3, window_bounds = array<i64: 1000, 128>}, {transform_indices = @transform_4, window_bounds = array<i64: 1000, 128>}, {pipeline_mode = #tpu.pipeline_mode<synchronous>, transform_indices = @transform_5, window_bounds = array<i64: 128, 128>}, {pipeline_mode = #tpu.pipeline_mode<synchronous>, transform_indices = @transform_6, window_bounds = array<i64: 128, 128>}, {pipeline_mode = #tpu.pipeline_mode<synchronous>, transform_indices = @transform_7, window_bounds = array<i64: 1, 128>}, {transform_indices = @transform_8, window_bounds = array<i64: 1000, 128>}]} {
    %get3A = arith.constant 0 : index
    %get3A_0 = arith.constant 0 : index
    %get3A_1 = vector.load %arg3[%get3A, %get3A_0] : memref<1000x128xf32, #tpu.memory_space<vmem>>, vector<1000x128xf32>
    %slice3A = vector.extract_strided_slice %get3A_1 {offsets = [0, 0], sizes = [1000, 1], strides = [1, 1]} : vector<1000x128xf32> to vector<1000x1xf32>
    %squeeze3A = vector.shape_cast %slice3A : vector<1000x1xf32> to vector<1000xf32>
    %get3A_2 = arith.constant 0 : index
    %get3A_3 = arith.constant 0 : index
    %get3A_4 = vector.load %arg4[%get3A_2, %get3A_3] : memref<1000x128xf32, #tpu.memory_space<vmem>>, vector<1000x128xf32>
    %slice3A_5 = vector.extract_strided_slice %get3A_4 {offsets = [0, 0], sizes = [1000, 1], strides = [1, 1]} : vector<1000x128xf32> to vector<1000x1xf32>
    %squeeze3A_6 = vector.shape_cast %slice3A_5 : vector<1000x1xf32> to vector<1000xf32>
    %add3A = arith.addf %squeeze3A, %squeeze3A_6 : vector<1000xf32>
    %get3A_7 = arith.constant 0 : index
    %get3A_8 = arith.constant 0 : index
    %get3A_9 = vector.load %arg1[%get3A_7, %get3A_8] : memref<1000x128xf32, #tpu.memory_space<vmem>>, vector<1000x128xf32>
    %get3A_10 = arith.constant 0 : index
    %get3A_11 = arith.constant 0 : index
    %get3A_12 = vector.load %arg2[%get3A_10, %get3A_11] : memref<1000x128xf32, #tpu.memory_space<vmem>>, vector<1000x128xf32>
    %add3A_13 = arith.addf %get3A_9, %get3A_12 : vector<1000x128xf32>
    %max3A = arith.constant 1.000000e+00 : f32
    %max3A_14 = vector.broadcast %max3A : f32 to vector<1000xf32>
    %max3A_15 = arith.maximumf %add3A, %max3A_14 : vector<1000xf32>
    %broadcast_in_dim3A = vector.shape_cast %max3A_15 : vector<1000xf32> to vector<1000x1xf32>
    %div3A = vector.broadcast %broadcast_in_dim3A : vector<1000x1xf32> to vector<1000x128xf32>
    %div3A_16 = arith.divf %add3A_13, %div3A : vector<1000x128xf32>
    %get3A_17 = arith.constant 0 : index
    %get3A_18 = arith.constant 0 : index
    %get3A_19 = vector.load %arg6[%get3A_17, %get3A_18] : memref<128x128xf32, #tpu.memory_space<vmem>>, vector<128x128xf32>
    %dot_general3A = arith.constant dense<0.000000e+00> : vector<1000x128xf32>
    %dot_general3A_20 = tpu.matmul %div3A_16, %get3A_19, %dot_general3A {dimension_numbers = #tpu.dot_dimension_numbers<[1], [0], [0], [1], [0, 0, 1, 1], [], []>, transpose_lhs_hint = false} : vector<1000x128xf32>, vector<128x128xf32>, vector<1000x128xf32> -> vector<1000x128xf32>
    %get3A_21 = arith.constant 0 : index
    %get3A_22 = arith.constant 0 : index
    %get3A_23 = vector.load %arg5[%get3A_21, %get3A_22] : memref<1000x128xf32, #tpu.memory_space<vmem>>, vector<1000x128xf32>
    %get3A_24 = arith.constant 0 : index
    %get3A_25 = arith.constant 0 : index
    %get3A_26 = vector.load %arg7[%get3A_24, %get3A_25] : memref<128x128xf32, #tpu.memory_space<vmem>>, vector<128x128xf32>
    %dot_general3A_27 = arith.constant dense<0.000000e+00> : vector<1000x128xf32>
    %dot_general3A_28 = tpu.matmul %get3A_23, %get3A_26, %dot_general3A_27 {dimension_numbers = #tpu.dot_dimension_numbers<[1], [0], [0], [1], [0, 0, 1, 1], [], []>, transpose_lhs_hint = false} : vector<1000x128xf32>, vector<128x128xf32>, vector<1000x128xf32> -> vector<1000x128xf32>
    %add3A_29 = arith.addf %dot_general3A_20, %dot_general3A_28 : vector<1000x128xf32>
    %get3A_30 = arith.constant 0 : index
    %get3A_31 = arith.constant 0 : index
    %get3A_32 = vector.load %arg8[%get3A_30, %get3A_31] : memref<1x128xf32, #tpu.memory_space<vmem>>, vector<1x128xf32>
    %add3A_33 = vector.broadcast %get3A_32 : vector<1x128xf32> to vector<1000x128xf32>
    %add3A_34 = arith.addf %add3A_29, %add3A_33 : vector<1000x128xf32>
    %max3A_35 = arith.constant 0.000000e+00 : f32
    %max3A_36 = vector.broadcast %max3A_35 : f32 to vector<1000x128xf32>
    %max3A_37 = arith.maximumf %add3A_34, %max3A_36 : vector<1000x128xf32>
    %swap3A = arith.constant 0 : index
    %swap3A_38 = arith.constant 0 : index
    %swap3A_39 = vector.load %arg9[%swap3A, %swap3A_38] : memref<1000x128xf32, #tpu.memory_space<vmem>>, vector<1000x128xf32>
    tpu.vector_store %arg9[%swap3A, %swap3A_38], %max3A_37 {strides = array<i32>} : memref<1000x128xf32, #tpu.memory_space<vmem>>, vector<1000x128xf32>,
    return
  }
  func.func @transform_0(%arg0: i32) -> (i32, i32) {
    %c0_i32 = arith.constant 0 : i32
    %c0_i32_0 = arith.constant 0 : i32
    return %arg0, %c0_i32 : i32, i32
  }
  func.func @transform_1(%arg0: i32) -> (i32, i32) {
    %c0_i32 = arith.constant 0 : i32
    %c0_i32_0 = arith.constant 0 : i32
    return %arg0, %c0_i32 : i32, i32
  }
  func.func @transform_2(%arg0: i32) -> (i32, i32) {
    %c0_i32 = arith.constant 0 : i32
    %c0_i32_0 = arith.constant 0 : i32
    return %arg0, %c0_i32 : i32, i32
  }
  func.func @transform_3(%arg0: i32) -> (i32, i32) {
    %c0_i32 = arith.constant 0 : i32
    %c0_i32_0 = arith.constant 0 : i32
    return %arg0, %c0_i32 : i32, i32
  }
  func.func @transform_4(%arg0: i32) -> (i32, i32) {
    %c0_i32 = arith.constant 0 : i32
    %c0_i32_0 = arith.constant 0 : i32
    return %arg0, %c0_i32 : i32, i32
  }
  func.func @transform_5(%arg0: i32) -> (i32, i32) {
    %c0_i32 = arith.constant 0 : i32
    %c0_i32_0 = arith.constant 0 : i32
    %c0_i32_1 = arith.constant 0 : i32
    return %c0_i32, %c0_i32_0 : i32, i32
  }
  func.func @transform_6(%arg0: i32) -> (i32, i32) {
    %c0_i32 = arith.constant 0 : i32
    %c0_i32_0 = arith.constant 0 : i32
    %c0_i32_1 = arith.constant 0 : i32
    return %c0_i32, %c0_i32_0 : i32, i32
  }
  func.func @transform_7(%arg0: i32) -> (i32, i32) {
    %c0_i32 = arith.constant 0 : i32
    %c0_i32_0 = arith.constant 0 : i32
    %c0_i32_1 = arith.constant 0 : i32
    return %c0_i32, %c0_i32_0 : i32, i32
  }
  func.func @transform_8(%arg0: i32) -> (i32, i32) {
    %c0_i32 = arith.constant 0 : i32
    %c0_i32_0 = arith.constant 0 : i32
    return %arg0, %c0_i32 : i32, i32
  }
}

</mosaic_0001>

<sc_bundles>
// kernel: kernel.5.cloned.1.call-start
scs
__scs_entry_jumppad:
0x0: {  	(pc) =	sbr.rel $0x88, $3  }
0x1: {  	(tag) =	ssettag $0x0;
	lr =	simm.s32 $0x1  }
0x2: {  	[smem:$0x3F9D] =	sst lr;
	_ =	strace $0xD0000000  }
0x3: {  	_ = 	snop  }
0x4: {  	_ = 	snop  }
0x5: {  	_ = 	snop  }
0x6: {  	_ = 	snop  }
0x7: {  	_ = 	snop  }
__scs_overlays_trampoline_lowered:
0x8: {  	[smem:$0x3FAC] =	sst s0  }
0x9: {  	[smem:$0x3FAD] =	sst s1  }
0xa: {  	[smem:$0x3FAE] =	sst s2  }
0xb: {  	[smem:$0x3FAF] =	sst s3  }
0xc: {  	[smem:$0x3FB0] =	sst s4  }
0xd: {  	[smem:$0x3FB1] =	sst s5  }
0xe: {  	[smem:$0x3FB2] =	sst s6  }
0xf: {  	[smem:$0x3FB3] =	sst s7  }
0x10: {  	[smem:$0x3FB4] =	sst s8  }
0x11: {  	[smem:$0x3FB5] =	sst s9;
	s0 =	simm.s32 @!p0 $0x0  }
0x12: {  	s1 =	sld [smem:$0x3F9B];
	s0 =	simm.s32 @p0 $0x1  }
0x13: {  	[smem:$0x3FB6] =	sst s0;
	s0 =	simm.s32 @!p1 $0x0  }
0x14: {  	s2 =	sld [smem:$0x3F9A];
	s0 =	simm.s32 @p1 $0x1  }
0x15: {  	[smem:$0x3FB7] =	sst s0;
	s0 =	simm.s32 @!p2 $0x0  }
0x16: {  	s3 =	sld [smem:$0x3FDB];
	s0 =	simm.s32 @p2 $0x1  }
0x17: {  	s4 =	simm.s32 $0x1BF5;
	[smem:$0x3FB9] =	sst s0  }
0x18: {  	s0 =	sld [smem:$0x3F9C];
	_ =	swait.ge [sflag:s4], $0x0  }
0x19: {  	s7 =	sld [smem:$0x3F9D]  }
0x1a: {  	s8 =	sadd.s32 $0xFFFFE003, lr  }
0x1b: {  	s9 =	sadd.s32 $0xFFFFFEF7, lr;
	s5 =	simm.s32 $0xFFFFFFFF;
	p2 =	slt.u32 s8, $0xFFFFF086  }
0x1c: {  	p1 =	slt.u32 s9, $0xF7A;
	s5 =	simm.s32 @!p2 $0x0  }
0x1d: {  	s5 =	simm.s32 @p1 $0x1;
	p0 =	seq.s32 s7, s2  }
0x1e: {  	s7 =	smul.u32 @!p0 $0xF7A, s2;
	p2 =	seq.s32 @!p0 s5, $0x0  }
0x1f: {  	s9 =	smul.u32 $0xF7A, s1;
	s8 =	simm.s32 @!p0 $0x1BF5;
	p2 =	por !p2, p0  }
0x20: {  	[sflag:s8] =	ssyncset.s32 @!p0 $0xFFFFF086;
	s6 =	sadd.s32 @!p0 s3, s7;
	s7 =	simm.s32 @!p0 $0x108  }
0x21: {  	s3 =	sadd.s32 s3, s9;
	s6 =	sadd.s32 @!p0 $0x88, s6;
	s7 =	simm.s32 @p2 $0x1082  }
0x22: {  	[simem:s7], [sflag:s8] =	dma.local @!p0 [hbm:s6], $0xF7A  }
0x23: {  	s9 =	sor.u32 $0xD0000000, s2;
	s6 =	simm.s32 $0x108;
	_ =	swait.ge @!p0 [sflag:s8], $0x0  }
0x24: {  	s3 =	sadd.s32 $0x88, s3;
	s6 =	simm.s32 @!p1 $0x1082;
	[sflag:s4] =	ssyncset.s32 $0xFFFFF086  }
0x25: {  	[simem:s6], [sflag:s4] =	dma.local [hbm:s3], $0xF7A  }
0x26: {  	[smem:$0x3F9D] =	sst s1;
	(tag) =	ssettag s2;
	_ =	strace s9  }
0x27: {  	s1 =	sld [smem:$0x3FAD]  }
0x28: {  	s2 =	sld [smem:$0x3FAE]  }
0x29: {  	s4 =	sld [smem:$0x3FB0]  }
0x2a: {  	p0 =	seq.s32 s5, $0x0;
	s5 =	sld [smem:$0x3FB1]  }
0x2b: {  	s6 =	sld [smem:$0x3FB2]  }
0x2c: {  	s7 =	sld [smem:$0x3FB3]  }
0x2d: {  	s3 =	simm.s32 $0x108;
	s8 =	sld [smem:$0x3FB4]  }
0x2e: {  	s3 =	simm.s32 @!p0 $0x1082;
	s9 =	sld [smem:$0x3FB5]  }
0x2f: {  	lr =	sadd.s32 s0, s3;
	s0 =	sld [smem:$0x3FAC]  }
0x30: {  	s3 =	sld [smem:$0x3FAF]  }
0x31: {  	[smem:$0x3FB8] =	sst s10  }
0x32: {  	s10 =	sld [smem:$0x3FB6];
	_ =	sdelay $0x3  }
0x33: {  	p0 =	seq.s32 s10, $0x1;
	s10 =	sld [smem:$0x3FB8];
	_ =	sdelay $0x3  }
0x34: {  	[smem:$0x3FB8] =	sst s10  }
0x35: {  	s10 =	sld [smem:$0x3FB7];
	_ =	sdelay $0x3  }
0x36: {  	p1 =	seq.s32 s10, $0x1;
	s10 =	sld [smem:$0x3FB8];
	_ =	sdelay $0x3  }
0x37: {  	[smem:$0x3FB8] =	sst s10  }
0x38: {  	s10 =	sld [smem:$0x3FB9]  }
0x39: {  	_ = 	snop;
	(pc) =	sbr.ind lr, $3  }
0x3a: {  	_ = 	snop  }
0x3b: {  	_ = 	snop  }
0x3c: {  	p2 =	seq.s32 s10, $0x1;
	s10 =	sld [smem:$0x3FB8]  }
0x3d: {  	_ =	shalt  }
0x3e: {  	_ =	shalt  }
0x3f: {  	_ =	shalt  }
0x40: {  	_ =	shalt  }
0x41: {  	_ =	shalt  }
0x42: {  	_ =	shalt  }
0x43: {  	_ =	shalt  }
0x44: {  	_ =	shalt  }
0x45: {  	_ =	shalt  }
0x46: {  	_ =	shalt  }
0x47: {  	_ =	shalt  }
0x48: {  	_ =	shalt  }
0x49: {  	_ =	shalt  }
0x4a: {  	_ =	shalt  }
0x4b: {  	_ =	shalt  }
0x4c: {  	_ =	shalt  }
0x4d: {  	_ =	shalt  }
0x4e: {  	_ =	shalt  }
0x4f: {  	_ =	shalt  }
0x50: {  	_ =	shalt  }
0x51: {  	_ =	shalt  }
0x52: {  	_ =	shalt  }
0x53: {  	_ =	shalt  }
0x54: {  	_ =	shalt  }
0x55: {  	_ =	shalt  }
0x56: {  	_ =	shalt  }
0x57: {  	_ =	shalt  }
0x58: {  	_ =	shalt  }
0x59: {  	_ =	shalt  }
0x5a: {  	_ =	shalt  }
0x5b: {  	_ =	shalt  }
0x5c: {  	_ =	shalt  }
0x5d: {  	_ =	shalt  }
0x5e: {  	_ =	shalt  }
0x5f: {  	_ =	shalt  }
0x60: {  	_ =	shalt  }
0x61: {  	_ =	shalt  }
0x62: {  	_ =	shalt  }
0x63: {  	_ =	shalt  }
0x64: {  	_ =	shalt  }
0x65: {  	_ =	shalt  }
0x66: {  	_ =	shalt  }
0x67: {  	_ =	shalt  }
0x68: {  	_ =	shalt  }
0x69: {  	_ =	shalt  }
0x6a: {  	_ =	shalt  }
0x6b: {  	_ =	shalt  }
0x6c: {  	_ =	shalt  }
0x6d: {  	_ =	shalt  }
0x6e: {  	_ =	shalt  }
0x6f: {  	_ =	shalt  }
0x70: {  	_ =	shalt  }
0x71: {  	_ =	shalt  }
0x72: {  	_ =	shalt  }
0x73: {  	_ =	shalt  }
0x74: {  	_ =	shalt  }
0x75: {  	_ =	shalt  }
0x76: {  	_ =	shalt  }
0x77: {  	_ =	shalt  }
0x78: {  	_ =	shalt  }
0x79: {  	_ =	shalt  }
0x7a: {  	_ =	shalt  }
0x7b: {  	_ =	shalt  }
0x7c: {  	_ =	shalt  }
0x7d: {  	_ =	shalt  }
0x7e: {  	_ =	shalt  }
0x7f: {  	_ =	shalt  }
0x80: {  	_ =	shalt  }
0x81: {  	_ =	shalt  }
0x82: {  	_ =	shalt  }
0x83: {  	_ =	shalt  }
0x84: {  	_ =	shalt  }
0x85: {  	_ =	shalt  }
0x86: {  	_ =	shalt  }
0x87: {  	_ =	shalt  }
.Lfunc_end0:
.L_simem_size_0:
called_computation_lowered:
.L_overlay_start_0:
0x88: {  	s2 =	sld [smem:$0x3FD9]  }
0x89: {  	s3 =	sld [smem:$0x3FFE];
	_ =	sdelay $0x1  }
0x8a: {  	s1 =	srdreg.scid  }
0x8b: {  	s0 =	sand.u32 $0x1, s1  }
0x8c: {  	s17 =	sshll.u32 s0, $0xA;
	s2 =	sadd.s32 s3, s2  }
0x8d: {  	s2 =	sadd.s32 s2, s17  }
0x8e: {  	[smem:$0x3FC4] =	sst s2  }
0x8f: {  	_ = 	snop  }
0x90: {  	s18 =	sld [smem:$0x3FC9];
	(tm) =	ssettm $0x1  }
0x91: {  	s19 =	sld [smem:$0x3FFB];
	_ =	sdelay $0x3  }
0x92: {  	_ =	strace s19  }
0x93: {  	s2 =	sld [smem:$0x3FFC];
	_ =	sdelay $0x3  }
0x94: {  	_ =	strace s2  }
0x95: {  	s2 =	sld [smem:$0x3FFD];
	_ =	sdelay $0x3  }
0x96: {  	_ =	strace s2  }
0x97: {  	_ =	strace $0x8FFFFFFF  }
0x98: {  	s20 =	sld [smem:$0x3FDB];
	_ =	sdelay $0x1  }
0x99: {  	s4 =	simm.s32 $_scs_section_size  }
0x9a: {  	s5 =	simm.s32 $_size__tile_overlayer_lowered;
	s6 =	simm.s32 $_tile_overlayer_lowered  }
0x9b: {  	s7 =	simm.s32 $0x1BFF;
	s21 =	sshll.u32 s6, $0x1;
	s4 =	sadd.s32 s4, s20  }
0x9c: {  	s22 =	simm.s32 $0x0;
	s5 =	sshll.u32 s5, $0x1;
	s6 =	sadd.s32 s21, s4  }
0x9d: {  	[timem:s22], [sflag:s7] =	dma.local [hbm:s6], s5  }
0x9e: {  	_ =	swait.ge [sflag:s7], s5  }
0x9f: {  	s5 =	ssub.s32 $0x0, s5;
	[sflag:s7] =	ssyncset.done $0x0  }
0xa0: {  	[sflag:s7] =	ssyncadd.s32 s5;
	_ =	sdelay $0x1  }
0xa1: {  	s23 =	simm.s32 $0x1B8B  }
0xa2: {  	_ =	swait.ge [sflag:s23], $0x1  }
0xa3: {  	[sflag:s23] =	ssyncset.done $0x0  }
0xa4: {  	[sflag:s23] =	ssyncadd.s32 $0xFFFFFFFF  }
0xa5: {  	s5 =	sld [smem:$0x0]  }
0xa6: {  	s6 =	sand.u32 $0xFFFFFFFE, s1  }
0xa7: {  	p0 =	sne.s32 s1, s6  }
0xa8: {  	s6 =	sshll.u32 @p0 s6, $0xE  }
0xa9: {  	s6 =	sadd.s32 @p0 $0x11B8D, s6;
	s7 =	sshll.u32 @p0 s5, $0x11  }
0xaa: {  	s6 =	sor.u32 @p0 s7, s6  }
0xab: {  	[sflag:s6] =	ssyncadd.remote.s32 @p0 $0x1;
	_ =	sdelay $0x1  }
0xac: {  	s6 =	simm.s32 @p0 $0x1B8D  }
0xad: {  	_ =	swait.eq @p0 [sflag:s6], $0x1  }
0xae: {  	[sflag:s6] =	ssyncadd.s32 @p0 $0xFFFFFFFF  }
0xaf: {  	s7 =	sshll.u32 @!p0 s1, $0xE  }
0xb0: {  	s7 =	sor.u32 @!p0 $0x4000, s7;
	s6 =	simm.s32 @!p0 $0x1B8D  }
0xb1: {  	s5 =	sshll.u32 @!p0 s5, $0x11;
	s7 =	sadd.s32 @!p0 $0x11B8D, s7;
	_ =	swait.eq @!p0 [sflag:s6], $0x1  }
0xb2: {  	s5 =	sor.u32 @!p0 s5, s7;
	[sflag:s6] =	ssyncadd.s32 @!p0 $0xFFFFFFFF  }
0xb3: {  	s25 =	simm.s32 $0x1B8E;
	s24 =	sld [smem:$0x3FFE];
	[sflag:s5] =	ssyncadd.remote.s32 @!p0 $0x1  }
0xb4: {  	s26 =	simm.s32 $execute0_lowered;
	[smem:$0x3FD2] =	sst s25  }
0xb5: {  	s6 =	sshll.u32 s26, $0x1;
	_ =	strace $0x80000049;
	[dreg:$0x1] =	wrdreg $0xFFFFFFFF  }
0xb6: {  	s28 =	simm.s32 $_size_execute0_lowered;
	s4 =	sadd.s32 s4, s6;
	[dreg:$0x0] =	wrdreg $0x0  }
0xb7: {  	s6 =	sshll.u32 s28, $0x1;
	[dreg:$0x2] =	wrdreg s4  }
0xb8: {  	[dreg:$0x3] =	wrdreg s6  }
0xb9: {  	[dreg:$0x4] =	wrdreg $0xC0  }
0xba: {  	_ =	task [dreg:s22], $0x5FFFF  }
0xbb: {  	[dreg:$0x1] =	wrdreg $0xFFFFFFFF  }
0xbc: {  	[dreg:$0x0] =	wrdreg $0x60  }
0xbd: {  	[dreg:$0x2] =	wrdreg s18  }
0xbe: {  	[dreg:$0x3] =	wrdreg s24  }
0xbf: {  	[dreg:$0x4] =	wrdreg $0x0  }
0xc0: {  	[dreg:$0x5] =	wrdreg $0x9  }
0xc1: {  	_ =	task.clear_ibuf [dreg:s22], $0x6FFFF;
	_ =	strace $0x90000049  }
0xc2: {  	s29 =	simm.s32 $0x9;
	_ =	strace $0x8000004B  }
0xc3: {  	_ =	swait.ge [sflag:s29], $0x1  }
0xc4: {  	[sflag:s29] =	ssyncadd.s32 $0xFFFFFFFF  }
0xc5: {  	_ =	strace $0x9000004B  }
0xc6: {  	_ =	sfence  }
0xc7: {  	s30 =	sld [smem:$0x0];
	_ =	sdelay $0x2  }
0xc8: {  	s31 =	sshll.u32 s1, $0xD;
	s1 =	sshrl.u32 s1, $0x2  }
0xc9: {  	s4 =	sand.u32 $0x4000, s31;
	s1 =	sadd.s32 s1, s30  }
0xca: {  	s0 =	sor.u32 s4, s0;
	s1 =	sshll.u32 s1, $0x11  }
0xcb: {  	s0 =	sor.u32 s1, s0  }
0xcc: {  	s0 =	sadd.s32 $0x8F2B, s0  }
0xcd: {  	[sflag:s0] =	ssyncadd.remote.s32 $0x1  }
0xce: {  	_ =	sfence.sel $0xFFFF  }
0xcf: {  	[dreg:$0x0] =	wrdreg $0xFFFFFFFF;
	(pc) =	sbr.abs _section_cstart, $3  }
0xd0: {  	[dreg:$0x1] =	wrdreg $0xFFFFFFFF  }
0xd1: {  	_ =	task.clear_ibuf [dreg:s22], $0x2FFFF;
	_ =	strace $0x9FFFFFFF  }
0xd2: {  	(tm) =	ssettm $0x7FFFFFFF  }
0xd3: {  	_ =	shalt  }
tec
execute0_lowered:
.L_overlay_start_1:
0x0: {  	(tag) =	ssettag $0x1  }
0x1: {  	s0 =	rddreg [dreg:$0x0]  }
0x2: {  	s5 =	rddreg [dreg:$0x1];
	s1 =	srdreg.scid  }
0x3: {  	s3 =	rddreg [dreg:$0x2];
	s2 =	stileid.u32;
	s4 =	simm.s32 $0x0  }
0x4: {  	s14 =	simm.s32 $0x139C0;
	s15 =	simm.s32 $0x2;
	s16 =	simm.s32 $0x138C0  }
0x5: {  	s17 =	simm.s32 $0x80;
	s18 =	simm.s32 $0x13940;
	s8 =	smul.u32 $0x13C00, s2  }
0x6: {  	s19 =	simm.s32 $0x1;
	s21 =	simm.s32 $0x0;
	s29 =	smul.u32 $0x4E200, s2  }
0x7: {  	s6 =	sand.u32 $0x1, s1;
	s1 =	rddreg [dreg:$0x3];
	s13 =	smul.u32 $0x4F0, s2  }
0x8: {  	[smem:$0x7FF] =	sst s4;
	s20 =	sshll.u32 s2, $0x6;
	s7 =	smul.u32 $0x13C000, s6  }
0x9: {  	s9 =	smul.u32 $0x4F00, s6;
	_ =	strace $0x8000004A;
	s6 =	ssub.s32 $0x2, s6  }
0xa: {  	s20 =	sor.u32 $0x1C02, s20;
	s30 =	sshrl.u32 s6, $0x1;
	s31 =	sshrl.u32 s29, $0x2  }
0xb: {  	s7 =	sadd.s32 s8, s7;
	s11 =	sadd.s32 s9, s5;
	s12 =	ssub.s32 s6, s30  }
0xc: {  	s7 =	sshrl.u32 s7, $0x3;
	s13 =	sadd.s32 s13, s11;
	s11 =	smax.u32 s12, $0x1  }
0xd: {  	s10 =	sadd.s32 s7, s5;
	s5 =	sadd.s32 s31, s3;
	s12 =	sadd.s32 $0x1C00, s13  }
0xe: {  	s13 =	sadd.s32 $0x5AA00, s13;
	s6 =	sadd.s32 $0x4000, s5;
	s7 =	sadd.s32 $0x8000, s5  }
0xf: {  	v0 =	vimm.f32 $0.0e+00;
	s8 =	sadd.s32 $0xC000, s5;
	s9 =	sadd.s32 $0x10000, s5;
	s10 =	sadd.s32 $0x64800, s10  }
.LBB2_1:
0x10: {  	s22 =	sand.u32 $0xFE00, s4  }
0x11: {  	s23 =	sand.u32 $0x70, s4;
	s24 =	sshrl.u32 s22, $0x2  }
0x12: {  	s22 =	simm.s32 $0x40;
	s24 =	sor.u32 s23, s24;
	s23 =	simm.s32 $0x0  }
.LBB2_2:
0x13: {  	p0 =	sne.s32 s22, $0xFFC0  }
0x14: {  	[tilespmem:s24+$0x139C0] =	vst v0;
	s23 =	sadd.s32 $0x10, s23;
	s24 =	smov.u32 s22;
	s22 =	sadd.s32 $0x40, s22  }
.Ltmp0:
0x15: {  	(pc) =	sbr.rel @p0 .LBB2_2-.Ltmp0, $4  }
0x16: {  	_ = 	snop  }
0x17: {  	s24 =	sand.u32 $0xFE00, s24  }
0x18: {  	s25 =	sand.u32 $0x70, s23;
	s24 =	sshrl.u32 s24, $0x2  }
0x19: {  	s24 =	sor.u32 s25, s24  }
0x1a: {  	[tilespmem:s24+$0x139C0] =	vst v0  }
0x1b: {  	[spmem:s5] =	stream.linear.scatter [tilespmem:s14], [sflag:$0x2], $0x4000, $0x38;
	[tilespmem:$0x179C0] =	vst v63  }
0x1c: {  	_ =	swait.ge [sflag:s15], $0x4000  }
0x1d: {  	[sflag:s15] =	ssyncset.done $0x0  }
0x1e: {  	[sflag:s15] =	ssyncadd.s32 $0xFFFFC000  }
0x1f: {  	[spmem:s6] =	stream.linear.scatter [tilespmem:s14], [sflag:$0x2], $0x4000, $0x38;
	[tilespmem:$0x179C0] =	vst v63  }
0x20: {  	_ =	swait.ge [sflag:s15], $0x4000  }
0x21: {  	[sflag:s15] =	ssyncset.done $0x0  }
0x22: {  	[sflag:s15] =	ssyncadd.s32 $0xFFFFC000  }
0x23: {  	[spmem:s7] =	stream.linear.scatter [tilespmem:s14], [sflag:$0x2], $0x4000, $0x38;
	[tilespmem:$0x179C0] =	vst v63  }
0x24: {  	_ =	swait.ge [sflag:s15], $0x4000  }
0x25: {  	[sflag:s15] =	ssyncset.done $0x0  }
0x26: {  	[sflag:s15] =	ssyncadd.s32 $0xFFFFC000  }
0x27: {  	[spmem:s8] =	stream.linear.scatter [tilespmem:s14], [sflag:$0x2], $0x4000, $0x38;
	[tilespmem:$0x179C0] =	vst v63  }
0x28: {  	_ =	swait.ge [sflag:s15], $0x4000  }
0x29: {  	[sflag:s15] =	ssyncset.done $0x0  }
0x2a: {  	[sflag:s15] =	ssyncadd.s32 $0xFFFFC000  }
0x2b: {  	[spmem:s9] =	stream.linear.scatter [tilespmem:s14], [sflag:$0x2], $0x3880, $0x38;
	[tilespmem:$0x179C0] =	vst v63  }
0x2c: {  	_ =	swait.ge [sflag:s15], $0x3880  }
0x2d: {  	[sflag:s15] =	ssyncset.done $0x0  }
0x2e: {  	[sflag:s15] =	ssyncadd.s32 $0xFFFFC780  }
0x2f: {  	s22 =	sadd.s32 $0x0, s13;
	[bflag:$0x0] =	sbarrier.arrive $0xFFFF  }
0x30: {  	[tilespmem:s16], [sflag:$0x2] =	stream.linear.gather [hbm4b:s22+s4], $0x80, $0x38;
	[tilespmem:$0x179C0] =	vst v63  }
0x31: {  	_ =	swait.ge [sflag:s15], $0x80  }
0x32: {  	[sflag:s15] =	ssyncset.done $0x0  }
0x33: {  	[sflag:s15] =	ssyncadd.s32 $0xFFFFFF80  }
0x34: {  	[tilespmem:s14], [sflag:$0x1] =	stream.indirect.gather [hbm4b:s0+s17], $0x80, s16, s17, $0xb8;
	[tilespmem:$0x179C0] =	vst v63  }
0x35: {  	s31 =	sadd.s32 $0x0, s12  }
0x36: {  	[tilespmem:s18], [sflag:$0x2] =	stream.linear.gather [hbm4b:s31+s4], $0x80, $0x38;
	[tilespmem:$0x179C0] =	vst v63  }
0x37: {  	_ =	swait.ge [sflag:s15], $0x80  }
0x38: {  	[sflag:s15] =	ssyncset.done $0x0  }
0x39: {  	[sflag:s15] =	ssyncadd.s32 $0xFFFFFF80  }
0x3a: {  	_ =	swait.ge [sflag:s19], $0x4000  }
0x3b: {  	[sflag:s19] =	ssyncset.done $0x0  }
0x3c: {  	[sflag:s19] =	ssyncadd.s32 $0xFFFFC000  }
0x3d: {  	[spmem:s3] =	stream.indirect.scatter.add.f32 [tilespmem:s14], [sflag:$0x2], $0x80, s18, s17, $0xb8;
	[tilespmem:$0x179C0] =	vst v63  }
0x3e: {  	_ =	swait.ge [sflag:s15], $0x4000  }
0x3f: {  	s23 =	simm.s32 $0x20;
	s22 =	simm.s32 $0x10;
	[sflag:s15] =	ssyncset.done $0x0  }
.LBB2_4:
0x40: {  	s24 =	sadd.s32 s22, s13  }
0x41: {  	[sflag:s15] =	ssyncadd.s32 $0xFFFFC000;
	s25 =	smov.u32 s23;
	s26 =	sadd.s32 $0x10, s23  }
0x42: {  	[tilespmem:s16], [sflag:$0x2] =	stream.linear.gather [hbm4b:s24+s4], $0x80, $0x38;
	[tilespmem:$0x179C0] =	vst v63  }
0x43: {  	p0 =	sne.s32 s23, $0x4E0;
	_ =	swait.ge [sflag:s15], $0x80  }
0x44: {  	[sflag:s15] =	ssyncset.done $0x0  }
0x45: {  	[sflag:s15] =	ssyncadd.s32 $0xFFFFFF80  }
0x46: {  	[tilespmem:s14], [sflag:$0x1] =	stream.indirect.gather [hbm4b:s0+s17], $0x80, s16, s17, $0xb8;
	[tilespmem:$0x179C0] =	vst v63  }
0x47: {  	s23 =	sadd.s32 s22, s12;
	s22 =	smov.u32 s25  }
0x48: {  	[tilespmem:s18], [sflag:$0x2] =	stream.linear.gather [hbm4b:s23+s4], $0x80, $0x38;
	[tilespmem:$0x179C0] =	vst v63  }
0x49: {  	_ =	swait.ge [sflag:s15], $0x80  }
0x4a: {  	[sflag:s15] =	ssyncset.done $0x0  }
0x4b: {  	[sflag:s15] =	ssyncadd.s32 $0xFFFFFF80  }
0x4c: {  	_ =	swait.ge [sflag:s19], $0x4000  }
.Ltmp1:
0x4d: {  	[sflag:s19] =	ssyncset.done $0x0;
	(pc) =	sbr.rel @p0 .LBB2_4-.Ltmp1, $4  }
0x4e: {  	[sflag:s19] =	ssyncadd.s32 $0xFFFFC000  }
0x4f: {  	[spmem:s3] =	stream.indirect.scatter.add.f32 [tilespmem:s14], [sflag:$0x2], $0x80, s18, s17, $0xb8;
	[tilespmem:$0x179C0] =	vst v63  }
0x50: {  	_ =	swait.ge [sflag:s15], $0x4000  }
0x51: {  	s23 =	smov.u32 s26;
	[sflag:s15] =	ssyncset.done $0x0  }
0x52: {  	s23 =	sadd.s32 s22, s13;
	[sflag:s15] =	ssyncadd.s32 $0xFFFFC000  }
0x53: {  	[tilespmem:s16], [sflag:$0x2] =	stream.linear.gather [hbm4b:s23+s4], $0x80, $0x38;
	[tilespmem:$0x179C0] =	vst v63  }
0x54: {  	_ =	swait.ge [sflag:s15], $0x80  }
0x55: {  	[sflag:s15] =	ssyncset.done $0x0  }
0x56: {  	[sflag:s15] =	ssyncadd.s32 $0xFFFFFF80  }
0x57: {  	[tilespmem:s14], [sflag:$0x1] =	stream.indirect.gather [hbm4b:s0+s17], $0x80, s16, s17, $0xb8;
	[tilespmem:$0x179C0] =	vst v63  }
0x58: {  	s30 =	sadd.s32 s22, s12  }
0x59: {  	[tilespmem:s18], [sflag:$0x2] =	stream.linear.gather [hbm4b:s30+s4], $0x80, $0x38;
	[tilespmem:$0x179C0] =	vst v63  }
0x5a: {  	_ =	swait.ge [sflag:s15], $0x80  }
0x5b: {  	[sflag:s15] =	ssyncset.done $0x0  }
0x5c: {  	[sflag:s15] =	ssyncadd.s32 $0xFFFFFF80  }
0x5d: {  	_ =	swait.ge [sflag:s19], $0x4000  }
0x5e: {  	[sflag:s19] =	ssyncset.done $0x0  }
0x5f: {  	[sflag:s19] =	ssyncadd.s32 $0xFFFFC000  }
0x60: {  	[spmem:s3] =	stream.indirect.scatter.add.f32 [tilespmem:s14], [sflag:$0x2], $0x80, s18, s17, $0xb8;
	[tilespmem:$0x179C0] =	vst v63  }
0x61: {  	_ =	swait.ge [sflag:s15], $0x4000  }
0x62: {  	s21 =	sadd.s32 $0x1, s21;
	[sflag:s15] =	ssyncset.done $0x0  }
0x63: {  	p0 =	sne.s32 s21, s11;
	[sflag:s15] =	ssyncadd.s32 $0xFFFFC000  }
.Ltmp2:
0x64: {  	s31 =	sshrl.u32 s5, $0x3;
	[bflag:$0x0] =	sbarrier.arrive $0xFFFF;
	(pc) =	sbr.rel @p0 .LBB2_1-.Ltmp2, $4  }
0x65: {  	[hbm:s10], [sflag:s20] =	dma.local [spmem:s31], $0x2710  }
0x66: {  	_ =	swait.ge [sflag:s15], $0x2710  }
0x67: {  	[sflag:s15] =	ssyncset.done $0x0  }
0x68: {  	[sflag:s15] =	ssyncadd.s32 $0xFFFFD8F0  }
0x69: {  	_ =	sfence.sel $0x180000  }
0x6a: {  	[bflag:$0x0] =	sbarrier.arrive $0xFFFF  }
0x6b: {  	p0 =	sne.s32 s2, $0x0;
	_ =	strace $0x9000004A  }
0x6c: {  	s0 =	sadd.s32 @!p0 $0x100000, s1;
	[bflag:$0x2] =	sbarrier.arrive $0xFFFF  }
0x6d: {  	[sflag:s0] =	ssyncadd.tile.s32 @!p0 $0x1;
	_ =	shalt  }
.Lfunc_end2:
_tile_overlayer_lowered:
.L_overlay_start_2:
0x6e: {  	(tag) =	ssettag $0x2  }
0x6f: {  	s0 =	rddreg [dreg:$0x0];
	s2 =	stileid.u32  }
0x70: {  	s1 =	rddreg [dreg:$0x1];
	p0 =	sne.s32 s2, $0x0  }
0x71: {  	s3 =	rddreg [dreg:$0x2];
	[bflag:$0x3] =	sbarrier.arrive $0xFFFF;
	s2 =	simm.s32 @!p0 $0x1C02  }
0x72: {  	[timem:s3], [sflag:s2] =	dma.local @!p0 [hbm:s0], s1  }
0x73: {  	s0 =	simm.s32 @!p0 $0x2  }
0x74: {  	_ =	swait.ge @!p0 [sflag:s0], s1  }
0x75: {  	s1 =	ssub.s32 @!p0 $0x0, s1;
	[sflag:s0] =	ssyncset.done @!p0 $0x0  }
0x76: {  	[sflag:s0] =	ssyncadd.s32 @!p0 s1  }
0x77: {  	[bflag:$0x3] =	sbarrier.arrive $0xFFFF  }
0x78: {  	_ =	shalt  }

// kernel: kernel.8.cloned.1.call-start
scs
__scs_entry_jumppad:
0x0: {  	(pc) =	sbr.rel $0x88, $3  }
0x1: {  	(tag) =	ssettag $0x0;
	lr =	simm.s32 $0x1  }
0x2: {  	[smem:$0x3F9D] =	sst lr;
	_ =	strace $0xD0000000  }
0x3: {  	_ = 	snop  }
0x4: {  	_ = 	snop  }
0x5: {  	_ = 	snop  }
0x6: {  	_ = 	snop  }
0x7: {  	_ = 	snop  }
__scs_overlays_trampoline_lowered:
0x8: {  	[smem:$0x3FAC] =	sst s0  }
0x9: {  	[smem:$0x3FAD] =	sst s1  }
0xa: {  	[smem:$0x3FAE] =	sst s2  }
0xb: {  	[smem:$0x3FAF] =	sst s3  }
0xc: {  	[smem:$0x3FB0] =	sst s4  }
0xd: {  	[smem:$0x3FB1] =	sst s5  }
0xe: {  	[smem:$0x3FB2] =	sst s6  }
0xf: {  	[smem:$0x3FB3] =	sst s7  }
0x10: {  	[smem:$0x3FB4] =	sst s8  }
0x11: {  	[smem:$0x3FB5] =	sst s9;
	s0 =	simm.s32 @!p0 $0x0  }
0x12: {  	s1 =	sld [smem:$0x3F9B];
	s0 =	simm.s32 @p0 $0x1  }
0x13: {  	[smem:$0x3FB6] =	sst s0;
	s0 =	simm.s32 @!p1 $0x0  }
0x14: {  	s2 =	sld [smem:$0x3F9A];
	s0 =	simm.s32 @p1 $0x1  }
0x15: {  	[smem:$0x3FB7] =	sst s0;
	s0 =	simm.s32 @!p2 $0x0  }
0x16: {  	s3 =	sld [smem:$0x3FDB];
	s0 =	simm.s32 @p2 $0x1  }
0x17: {  	s4 =	simm.s32 $0x1BF5;
	[smem:$0x3FB9] =	sst s0  }
0x18: {  	s0 =	sld [smem:$0x3F9C];
	_ =	swait.ge [sflag:s4], $0x0  }
0x19: {  	s7 =	sld [smem:$0x3F9D]  }
0x1a: {  	s8 =	sadd.s32 $0xFFFFE003, lr  }
0x1b: {  	s9 =	sadd.s32 $0xFFFFFEF7, lr;
	s5 =	simm.s32 $0xFFFFFFFF;
	p2 =	slt.u32 s8, $0xFFFFF086  }
0x1c: {  	p1 =	slt.u32 s9, $0xF7A;
	s5 =	simm.s32 @!p2 $0x0  }
0x1d: {  	s5 =	simm.s32 @p1 $0x1;
	p0 =	seq.s32 s7, s2  }
0x1e: {  	s7 =	smul.u32 @!p0 $0xF7A, s2;
	p2 =	seq.s32 @!p0 s5, $0x0  }
0x1f: {  	s9 =	smul.u32 $0xF7A, s1;
	s8 =	simm.s32 @!p0 $0x1BF5;
	p2 =	por !p2, p0  }
0x20: {  	[sflag:s8] =	ssyncset.s32 @!p0 $0xFFFFF086;
	s6 =	sadd.s32 @!p0 s3, s7;
	s7 =	simm.s32 @!p0 $0x108  }
0x21: {  	s3 =	sadd.s32 s3, s9;
	s6 =	sadd.s32 @!p0 $0x88, s6;
	s7 =	simm.s32 @p2 $0x1082  }
0x22: {  	[simem:s7], [sflag:s8] =	dma.local @!p0 [hbm:s6], $0xF7A  }
0x23: {  	s9 =	sor.u32 $0xD0000000, s2;
	s6 =	simm.s32 $0x108;
	_ =	swait.ge @!p0 [sflag:s8], $0x0  }
0x24: {  	s3 =	sadd.s32 $0x88, s3;
	s6 =	simm.s32 @!p1 $0x1082;
	[sflag:s4] =	ssyncset.s32 $0xFFFFF086  }
0x25: {  	[simem:s6], [sflag:s4] =	dma.local [hbm:s3], $0xF7A  }
0x26: {  	[smem:$0x3F9D] =	sst s1;
	(tag) =	ssettag s2;
	_ =	strace s9  }
0x27: {  	s1 =	sld [smem:$0x3FAD]  }
0x28: {  	s2 =	sld [smem:$0x3FAE]  }
0x29: {  	s4 =	sld [smem:$0x3FB0]  }
0x2a: {  	p0 =	seq.s32 s5, $0x0;
	s5 =	sld [smem:$0x3FB1]  }
0x2b: {  	s6 =	sld [smem:$0x3FB2]  }
0x2c: {  	s7 =	sld [smem:$0x3FB3]  }
0x2d: {  	s3 =	simm.s32 $0x108;
	s8 =	sld [smem:$0x3FB4]  }
0x2e: {  	s3 =	simm.s32 @!p0 $0x1082;
	s9 =	sld [smem:$0x3FB5]  }
0x2f: {  	lr =	sadd.s32 s0, s3;
	s0 =	sld [smem:$0x3FAC]  }
0x30: {  	s3 =	sld [smem:$0x3FAF]  }
0x31: {  	[smem:$0x3FB8] =	sst s10  }
0x32: {  	s10 =	sld [smem:$0x3FB6];
	_ =	sdelay $0x3  }
0x33: {  	p0 =	seq.s32 s10, $0x1;
	s10 =	sld [smem:$0x3FB8];
	_ =	sdelay $0x3  }
0x34: {  	[smem:$0x3FB8] =	sst s10  }
0x35: {  	s10 =	sld [smem:$0x3FB7];
	_ =	sdelay $0x3  }
0x36: {  	p1 =	seq.s32 s10, $0x1;
	s10 =	sld [smem:$0x3FB8];
	_ =	sdelay $0x3  }
0x37: {  	[smem:$0x3FB8] =	sst s10  }
0x38: {  	s10 =	sld [smem:$0x3FB9]  }
0x39: {  	_ = 	snop;
	(pc) =	sbr.ind lr, $3  }
0x3a: {  	_ = 	snop  }
0x3b: {  	_ = 	snop  }
0x3c: {  	p2 =	seq.s32 s10, $0x1;
	s10 =	sld [smem:$0x3FB8]  }
0x3d: {  	_ =	shalt  }
0x3e: {  	_ =	shalt  }
0x3f: {  	_ =	shalt  }
0x40: {  	_ =	shalt  }
0x41: {  	_ =	shalt  }
0x42: {  	_ =	shalt  }
0x43: {  	_ =	shalt  }
0x44: {  	_ =	shalt  }
0x45: {  	_ =	shalt  }
0x46: {  	_ =	shalt  }
0x47: {  	_ =	shalt  }
0x48: {  	_ =	shalt  }
0x49: {  	_ =	shalt  }
0x4a: {  	_ =	shalt  }
0x4b: {  	_ =	shalt  }
0x4c: {  	_ =	shalt  }
0x4d: {  	_ =	shalt  }
0x4e: {  	_ =	shalt  }
0x4f: {  	_ =	shalt  }
0x50: {  	_ =	shalt  }
0x51: {  	_ =	shalt  }
0x52: {  	_ =	shalt  }
0x53: {  	_ =	shalt  }
0x54: {  	_ =	shalt  }
0x55: {  	_ =	shalt  }
0x56: {  	_ =	shalt  }
0x57: {  	_ =	shalt  }
0x58: {  	_ =	shalt  }
0x59: {  	_ =	shalt  }
0x5a: {  	_ =	shalt  }
0x5b: {  	_ =	shalt  }
0x5c: {  	_ =	shalt  }
0x5d: {  	_ =	shalt  }
0x5e: {  	_ =	shalt  }
0x5f: {  	_ =	shalt  }
0x60: {  	_ =	shalt  }
0x61: {  	_ =	shalt  }
0x62: {  	_ =	shalt  }
0x63: {  	_ =	shalt  }
0x64: {  	_ =	shalt  }
0x65: {  	_ =	shalt  }
0x66: {  	_ =	shalt  }
0x67: {  	_ =	shalt  }
0x68: {  	_ =	shalt  }
0x69: {  	_ =	shalt  }
0x6a: {  	_ =	shalt  }
0x6b: {  	_ =	shalt  }
0x6c: {  	_ =	shalt  }
0x6d: {  	_ =	shalt  }
0x6e: {  	_ =	shalt  }
0x6f: {  	_ =	shalt  }
0x70: {  	_ =	shalt  }
0x71: {  	_ =	shalt  }
0x72: {  	_ =	shalt  }
0x73: {  	_ =	shalt  }
0x74: {  	_ =	shalt  }
0x75: {  	_ =	shalt  }
0x76: {  	_ =	shalt  }
0x77: {  	_ =	shalt  }
0x78: {  	_ =	shalt  }
0x79: {  	_ =	shalt  }
0x7a: {  	_ =	shalt  }
0x7b: {  	_ =	shalt  }
0x7c: {  	_ =	shalt  }
0x7d: {  	_ =	shalt  }
0x7e: {  	_ =	shalt  }
0x7f: {  	_ =	shalt  }
0x80: {  	_ =	shalt  }
0x81: {  	_ =	shalt  }
0x82: {  	_ =	shalt  }
0x83: {  	_ =	shalt  }
0x84: {  	_ =	shalt  }
0x85: {  	_ =	shalt  }
0x86: {  	_ =	shalt  }
0x87: {  	_ =	shalt  }
.Lfunc_end0:
.L_simem_size_0:
called_computation.1_lowered:
.L_overlay_start_0:
0x88: {  	s2 =	sld [smem:$0x3FD9]  }
0x89: {  	s3 =	sld [smem:$0x3FFE];
	_ =	sdelay $0x1  }
0x8a: {  	s1 =	srdreg.scid  }
0x8b: {  	s0 =	sand.u32 $0x1, s1  }
0x8c: {  	s17 =	sshll.u32 s0, $0xA;
	s2 =	sadd.s32 s3, s2  }
0x8d: {  	s2 =	sadd.s32 s2, s17  }
0x8e: {  	[smem:$0x3FC4] =	sst s2  }
0x8f: {  	_ = 	snop  }
0x90: {  	s2 =	sld [smem:$0x3FD0];
	(tm) =	ssettm $0x1  }
0x91: {  	s18 =	sld [smem:$0x3FFB];
	_ =	sdelay $0x3  }
0x92: {  	_ =	strace s18  }
0x93: {  	s3 =	sld [smem:$0x3FFC];
	_ =	sdelay $0x3  }
0x94: {  	_ =	strace s3  }
0x95: {  	s3 =	sld [smem:$0x3FFD];
	_ =	sdelay $0x3  }
0x96: {  	_ =	strace s3  }
0x97: {  	_ =	strace $0x8FFFFFFF  }
0x98: {  	s19 =	sld [smem:$0x3FDB];
	_ =	sdelay $0x1  }
0x99: {  	s4 =	simm.s32 $_scs_section_size  }
0x9a: {  	s5 =	simm.s32 $_size__tile_overlayer_lowered;
	s6 =	simm.s32 $_tile_overlayer_lowered  }
0x9b: {  	s22 =	simm.s32 $0x1BFF;
	s21 =	sshll.u32 s6, $0x1;
	s3 =	sadd.s32 s4, s19  }
0x9c: {  	s7 =	simm.s32 $0x0;
	s20 =	sshll.u32 s5, $0x1;
	s5 =	sadd.s32 s21, s3  }
0x9d: {  	[timem:s7], [sflag:s22] =	dma.local [hbm:s5], s20  }
0x9e: {  	_ =	swait.ge [sflag:s22], s20  }
0x9f: {  	s4 =	ssub.s32 $0x0, s20;
	[sflag:s22] =	ssyncset.done $0x0  }
0xa0: {  	[sflag:s22] =	ssyncadd.s32 s4;
	_ =	sdelay $0x1  }
0xa1: {  	s23 =	simm.s32 $0x1B8B  }
0xa2: {  	_ =	swait.ge [sflag:s23], $0x1  }
0xa3: {  	[sflag:s23] =	ssyncset.done $0x0  }
0xa4: {  	s25 =	simm.s32 $0x1B8E;
	s24 =	sld [smem:$0x3FFE];
	[sflag:s23] =	ssyncadd.s32 $0xFFFFFFFF  }
0xa5: {  	s26 =	simm.s32 $execute0_lowered;
	[smem:$0x3FD2] =	sst s25  }
0xa6: {  	s5 =	sshll.u32 s26, $0x1;
	_ =	strace $0x80000046;
	[dreg:$0x1] =	wrdreg $0xFFFFFFFF  }
0xa7: {  	s28 =	simm.s32 $_size_execute0_lowered;
	s3 =	sadd.s32 s3, s5;
	[dreg:$0x0] =	wrdreg $0x0  }
0xa8: {  	s5 =	sshll.u32 s28, $0x1;
	[dreg:$0x2] =	wrdreg s3  }
0xa9: {  	[dreg:$0x3] =	wrdreg s5  }
0xaa: {  	[dreg:$0x4] =	wrdreg $0xC0  }
0xab: {  	_ =	task [dreg:s7], $0x5FFFF  }
0xac: {  	[dreg:$0x1] =	wrdreg $0xFFFFFFFF  }
0xad: {  	[dreg:$0x0] =	wrdreg $0x60  }
0xae: {  	[dreg:$0x2] =	wrdreg s2  }
0xaf: {  	[dreg:$0x3] =	wrdreg s24  }
0xb0: {  	[dreg:$0x4] =	wrdreg $0x0  }
0xb1: {  	[dreg:$0x5] =	wrdreg $0xA  }
0xb2: {  	_ =	task.clear_ibuf [dreg:s7], $0x6FFFF;
	_ =	strace $0x90000046  }
0xb3: {  	s29 =	simm.s32 $0xA;
	_ =	strace $0x80000048  }
0xb4: {  	_ =	swait.ge [sflag:s29], $0x1  }
0xb5: {  	[sflag:s29] =	ssyncadd.s32 $0xFFFFFFFF  }
0xb6: {  	_ =	strace $0x90000048  }
0xb7: {  	_ =	sfence  }
0xb8: {  	s30 =	sld [smem:$0x0];
	_ =	sdelay $0x2  }
0xb9: {  	s31 =	sshll.u32 s1, $0xD;
	s1 =	sshrl.u32 s1, $0x2  }
0xba: {  	s3 =	sand.u32 $0x4000, s31;
	s1 =	sadd.s32 s1, s30  }
0xbb: {  	s0 =	sor.u32 s3, s0;
	s1 =	sshll.u32 s1, $0x11  }
0xbc: {  	s0 =	sor.u32 s1, s0  }
0xbd: {  	s0 =	sadd.s32 $0x8F2B, s0  }
0xbe: {  	[sflag:s0] =	ssyncadd.remote.s32 $0x1  }
0xbf: {  	_ =	sfence.sel $0xFFFF  }
0xc0: {  	[dreg:$0x0] =	wrdreg $0xFFFFFFFF;
	(pc) =	sbr.abs _section_cstart, $3  }
0xc1: {  	[dreg:$0x1] =	wrdreg $0xFFFFFFFF  }
0xc2: {  	_ =	task.clear_ibuf [dreg:s7], $0x2FFFF;
	_ =	strace $0x9FFFFFFF  }
0xc3: {  	(tm) =	ssettm $0x7FFFFFFF  }
tec
execute0_lowered:
.L_overlay_start_1:
0x0: {  	(tag) =	ssettag $0x1  }
0x1: {  	s9 =	rddreg [dreg:$0x0]  }
0x2: {  	s4 =	rddreg [dreg:$0x1]  }
0x3: {  	s2 =	rddreg [dreg:$0x2]  }
0x4: {  	s0 =	srdreg.scid;
	s1 =	rddreg [dreg:$0x3];
	s3 =	simm.s32 $0x0  }
0x5: {  	s13 =	simm.s32 $0x1;
	s14 =	simm.s32 $0x178C0;
	s5 =	sand.u32 $0x1, s0  }
0x6: {  	s15 =	simm.s32 $0x80;
	s0 =	stileid.u32;
	s6 =	smul.u32 $0x13C000, s5  }
0x7: {  	s18 =	simm.s32 $0x0;
	[smem:$0x7FF] =	sst s3;
	s7 =	smul.u32 $0x13C00, s0  }
0x8: {  	_ =	strace $0x80000047;
	s29 =	smul.u32 $0x4E200, s0;
	s30 =	ssub.s32 $0x2, s5  }
0x9: {  	s5 =	sshll.u32 s5, $0x4;
	s16 =	sshll.u32 s0, $0x6;
	s31 =	sshrl.u32 s30, $0x1  }
0xa: {  	s5 =	sor.u32 s0, s5;
	s16 =	sor.u32 $0x1C01, s16;
	s6 =	sadd.s32 s7, s6  }
0xb: {  	s11 =	ssub.s32 s30, s31;
	s12 =	smul.u32 $0x500, s5;
	s6 =	sshrl.u32 s6, $0x3  }
0xc: {  	s7 =	sshrl.u32 s29, $0x2;
	s11 =	smax.u32 s11, $0x1;
	s10 =	sadd.s32 s6, s4  }
0xd: {  	s4 =	sadd.s32 s7, s2;
	s9 =	sadd.s32 s9, s12;
	s12 =	simm.s32 $0x138C0  }
0xe: {  	s5 =	sadd.s32 $0x4000, s4;
	s6 =	sadd.s32 $0x8000, s4;
	s7 =	sadd.s32 $0xC000, s4  }
0xf: {  	v0 =	vimm.f32 $0.0e+00;
	v1 =	vimm.f32 $1.000000000e+00;
	s8 =	sadd.s32 $0x10000, s4;
	s10 =	sadd.s32 $0xBA00, s10;
	s17 =	sshrl.u32 s4, $0x3  }
.LBB2_1:
0x10: {  	s19 =	sand.u32 $0xFE00, s3  }
0x11: {  	s20 =	sand.u32 $0x70, s3;
	s21 =	sshrl.u32 s19, $0x2  }
0x12: {  	s19 =	simm.s32 $0x40;
	s21 =	sor.u32 s20, s21;
	s20 =	simm.s32 $0x0  }
.LBB2_2:
0x13: {  	p0 =	sne.s32 s19, $0xFFC0  }
0x14: {  	[tilespmem:s21+$0x138C0] =	vst v0;
	s20 =	sadd.s32 $0x10, s20;
	s21 =	smov.u32 s19;
	s19 =	sadd.s32 $0x40, s19  }
.Ltmp0:
0x15: {  	(pc) =	sbr.rel @p0 .LBB2_2-.Ltmp0, $4  }
0x16: {  	_ = 	snop  }
0x17: {  	s21 =	sand.u32 $0xFE00, s21  }
0x18: {  	s22 =	sand.u32 $0x70, s20;
	s21 =	sshrl.u32 s21, $0x2  }
0x19: {  	s21 =	sor.u32 s22, s21  }
0x1a: {  	[tilespmem:s21+$0x138C0] =	vst v0  }
0x1b: {  	[spmem:s4] =	stream.linear.scatter [tilespmem:s12], [sflag:$0x1], $0x4000, $0x38;
	[tilespmem:$0x1A0C0] =	vst v63  }
0x1c: {  	_ =	swait.ge [sflag:s13], $0x4000  }
0x1d: {  	[sflag:s13] =	ssyncset.done $0x0  }
0x1e: {  	[sflag:s13] =	ssyncadd.s32 $0xFFFFC000  }
0x1f: {  	[spmem:s5] =	stream.linear.scatter [tilespmem:s12], [sflag:$0x1], $0x4000, $0x38;
	[tilespmem:$0x1A0C0] =	vst v63  }
0x20: {  	_ =	swait.ge [sflag:s13], $0x4000  }
0x21: {  	[sflag:s13] =	ssyncset.done $0x0  }
0x22: {  	[sflag:s13] =	ssyncadd.s32 $0xFFFFC000  }
0x23: {  	[spmem:s6] =	stream.linear.scatter [tilespmem:s12], [sflag:$0x1], $0x4000, $0x38;
	[tilespmem:$0x1A0C0] =	vst v63  }
0x24: {  	_ =	swait.ge [sflag:s13], $0x4000  }
0x25: {  	[sflag:s13] =	ssyncset.done $0x0  }
0x26: {  	[sflag:s13] =	ssyncadd.s32 $0xFFFFC000  }
0x27: {  	[spmem:s7] =	stream.linear.scatter [tilespmem:s12], [sflag:$0x1], $0x4000, $0x38;
	[tilespmem:$0x1A0C0] =	vst v63  }
0x28: {  	_ =	swait.ge [sflag:s13], $0x4000  }
0x29: {  	[sflag:s13] =	ssyncset.done $0x0  }
0x2a: {  	s19 =	simm.s32 $0x0;
	[sflag:s13] =	ssyncadd.s32 $0xFFFFC000  }
0x2b: {  	[spmem:s8] =	stream.linear.scatter [tilespmem:s12], [sflag:$0x1], $0x3880, $0x38;
	[tilespmem:$0x1A0C0] =	vst v63  }
0x2c: {  	s20 =	sand.u32 $0xFE00, s19;
	_ =	swait.ge [sflag:s13], $0x3880  }
0x2d: {  	s31 =	sand.u32 $0x70, s19;
	s22 =	sshrl.u32 s20, $0x2;
	[sflag:s13] =	ssyncset.done $0x0  }
0x2e: {  	s20 =	simm.s32 $0x40;
	s21 =	sor.u32 s31, s22;
	[sflag:s13] =	ssyncadd.s32 $0xFFFFC780  }
.LBB2_4:
0x2f: {  	p0 =	sne.s32 s20, $0xFFC0  }
0x30: {  	[tilespmem:s21+$0x138C0] =	vst v1;
	s19 =	sadd.s32 $0x10, s19;
	s21 =	smov.u32 s20;
	s20 =	sadd.s32 $0x40, s20  }
.Ltmp1:
0x31: {  	(pc) =	sbr.rel @p0 .LBB2_4-.Ltmp1, $4  }
0x32: {  	_ = 	snop  }
0x33: {  	s21 =	sand.u32 $0xFE00, s21  }
0x34: {  	s22 =	sand.u32 $0x70, s19;
	s21 =	sshrl.u32 s21, $0x2  }
0x35: {  	s21 =	sor.u32 s22, s21  }
0x36: {  	[tilespmem:s21+$0x138C0] =	vst v1;
	s19 =	simm.s32 $0x0  }
0x37: {  	[tilespmem:s14], [sflag:$0x1] =	stream.linear.gather [hbm4b:s9+s19], $0x2780, $0x38;
	[tilespmem:$0x1A0C0] =	vst v63  }
0x38: {  	_ =	swait.ge [sflag:s13], $0x2780  }
0x39: {  	[sflag:s13] =	ssyncset.done $0x0  }
0x3a: {  	[sflag:s13] =	ssyncadd.s32 $0xFFFFD880  }
0x3b: {  	s31 =	simm.s32 $0x178C0;
	[bflag:$0x0] =	sbarrier.arrive $0xFFFF  }
0x3c: {  	[spmem:s2] =	stream.indirect.scatter.add.f32 [tilespmem:s12], [sflag:$0x1], $0x80, s31, s15, $0xb8;
	[tilespmem:$0x1A0C0] =	vst v63  }
0x3d: {  	s19 =	simm.s32 $0x200;
	_ =	swait.ge [sflag:s13], $0x4000  }
.LBB2_6:
0x3e: {  	s20 =	sshra.s32 s19, $0x2;
	[sflag:s13] =	ssyncset.done $0x0;
	p0 =	sne.s32 s19, $0x9C00  }
.Ltmp2:
0x3f: {  	s20 =	sadd.s32 $0x178C0, s20;
	[sflag:s13] =	ssyncadd.s32 $0xFFFFC000;
	(pc) =	sbr.rel @p0 .LBB2_6-.Ltmp2, $3  }
0x40: {  	[spmem:s2] =	stream.indirect.scatter.add.f32 [tilespmem:s12], [sflag:$0x1], $0x80, s20, s15, $0xb8;
	[tilespmem:$0x1A0C0] =	vst v63  }
0x41: {  	s19 =	sadd.s32 $0x200, s19;
	_ =	sdelay $0x1  }
0x42: {  	_ =	swait.ge [sflag:s13], $0x4000  }
0x43: {  	[sflag:s13] =	ssyncset.done $0x0;
	s18 =	sadd.s32 $0x1, s18  }
0x44: {  	[sflag:s13] =	ssyncadd.s32 $0xFFFFC000;
	p0 =	sne.s32 s18, s11  }
.Ltmp3:
0x45: {  	[bflag:$0x0] =	sbarrier.arrive $0xFFFF;
	(pc) =	sbr.rel @p0 .LBB2_1-.Ltmp3, $4  }
0x46: {  	[hbm:s10], [sflag:s16] =	dma.local [spmem:s17], $0x2710  }
0x47: {  	_ =	swait.ge [sflag:s13], $0x2710  }
0x48: {  	[sflag:s13] =	ssyncset.done $0x0  }
0x49: {  	[sflag:s13] =	ssyncadd.s32 $0xFFFFD8F0  }
0x4a: {  	_ =	sfence.sel $0x180000  }
0x4b: {  	[bflag:$0x0] =	sbarrier.arrive $0xFFFF  }
0x4c: {  	p0 =	sne.s32 s0, $0x0;
	_ =	strace $0x90000047  }
0x4d: {  	s0 =	sadd.s32 @!p0 $0x100000, s1;
	[bflag:$0x2] =	sbarrier.arrive $0xFFFF  }
0x4e: {  	[sflag:s0] =	ssyncadd.tile.s32 @!p0 $0x1;
	_ =	shalt  }
.Lfunc_end2:
_tile_overlayer_lowered:
.L_overlay_start_2:
0x4f: {  	(tag) =	ssettag $0x2  }
0x50: {  	s0 =	rddreg [dreg:$0x0];
	s2 =	stileid.u32  }
0x51: {  	s1 =	rddreg [dreg:$0x1];
	p0 =	sne.s32 s2, $0x0  }
0x52: {  	s3 =	rddreg [dreg:$0x2];
	[bflag:$0x3] =	sbarrier.arrive $0xFFFF;
	s2 =	simm.s32 @!p0 $0x1C01  }
0x53: {  	[timem:s3], [sflag:s2] =	dma.local @!p0 [hbm:s0], s1  }
0x54: {  	s0 =	simm.s32 @!p0 $0x1  }
0x55: {  	_ =	swait.ge @!p0 [sflag:s0], s1  }
0x56: {  	s1 =	ssub.s32 @!p0 $0x0, s1;
	[sflag:s0] =	ssyncset.done @!p0 $0x0  }
0x57: {  	[sflag:s0] =	ssyncadd.s32 @!p0 s1  }
0x58: {  	[bflag:$0x3] =	sbarrier.arrive $0xFFFF  }
0x59: {  	_ =	shalt  }

</sc_bundles>
